<compile_context>
chip_gen: v7x
topology: tpu7x:2x2x1
jax: 0.10.2.dev20260603
libtpu: 0.0.44.dev20260713+nightly
codegen_flags: <defaults>
</compile_context>

<pallas_src>
import functools

import jax
import jax.numpy as jnp
from jax import lax
from jax.experimental import pallas as pl
from jax.experimental.pallas import tpu as pltpu
from jax.experimental.pallas import tpu_sc as plsc

_EPC = 64
_NBUF = 3
_CPW = (49, 49)


@functools.lru_cache(maxsize=None)
def _build(e, d):
    info = plsc.get_sparse_core_info()
    nc = info.num_cores
    ns = info.num_subcores
    nw = nc * ns
    n_full = e // _EPC
    tail = e - n_full * _EPC
    n_chunks = n_full + (1 if tail else 0)
    cpw0, cpw1 = _CPW
    if nc != 2 or ns * (cpw0 + cpw1) < n_chunks:
        cpw0 = cpw1 = -(-n_chunks // nw)
    cpw_max = max(cpw0, cpw1)
    epw = cpw_max * _EPC
    last_base_e = (ns * cpw0 + (ns - 1) * cpw1) * _EPC
    last_sz = e - last_base_e
    zfill = (epw - last_sz) // 16
    rounds = -(-cpw_max // _NBUF) + 1

    mesh = plsc.VectorSubcoreMesh(core_axis_name="c", subcore_axis_name="s")

    @functools.partial(
        pl.kernel,
        mesh=mesh,
        out_type=(
            jax.ShapeDtypeStruct((e, 2 * d), jnp.float32),
            jax.ShapeDtypeStruct((e, 2 * d), jnp.float32),
        ),
        scratch_types=(
            [pltpu.VMEM((epw,), jnp.int32) for _ in range(4)]
            + [pltpu.VMEM((_EPC, 2 * d), jnp.float32) for _ in range(2 * _NBUF)]
            + [pltpu.SemaphoreType.DMA for _ in range(4 * _NBUF)]
        ),
    )
    def gather_kernel(data_hbm, eip_hbm, ein_hbm, outp_hbm, outn_hbm, *sc):
        ed = [[sc[2 * s + h] for h in range(2)] for s in range(2)]
        rows = [[sc[4 + s * _NBUF + b] for b in range(_NBUF)] for s in range(2)]
        o = 4 + 2 * _NBUF
        gsem = [[sc[o + s * _NBUF + b] for b in range(_NBUF)] for s in range(2)]
        o += 2 * _NBUF
        wsem = [[sc[o + s * _NBUF + b] for b in range(_NBUF)] for s in range(2)]
        outs = (outp_hbm, outn_hbm)
        eis = (eip_hbm, ein_hbm)

        c_idx = lax.axis_index("c")
        s_idx = lax.axis_index("s")
        base_chunk = jnp.where(c_idx == 0, s_idx * cpw0,
                               ns * cpw0 + s_idx * cpw1)
        my_cpw = jnp.where(c_idx == 0, cpw0, cpw1)
        base_e = base_chunk * _EPC
        is_last = jnp.logical_and(c_idx == nc - 1, s_idx == ns - 1)

        @pl.when(jnp.logical_not(is_last))
        def _stage_full():
            for s in range(2):
                for h in range(2):
                    pltpu.async_copy(eis[s].at[pl.ds(h * e + base_e, epw)],
                                     ed[s][h], gsem[s][h])
            for s in range(2):
                for h in range(2):
                    pltpu.make_async_copy(eis[s].at[pl.ds(h * e + base_e, epw)],
                                          ed[s][h], gsem[s][h]).wait()

        @pl.when(is_last)
        def _stage_last():
            for s in range(2):
                pltpu.async_copy(eis[s].at[pl.ds(base_e, epw)],
                                 ed[s][0], gsem[s][0])
                pltpu.async_copy(eis[s].at[pl.ds(e + base_e, last_sz)],
                                 ed[s][1].at[pl.ds(0, last_sz)], gsem[s][1])
            for s in range(2):
                pltpu.make_async_copy(eis[s].at[pl.ds(base_e, epw)],
                                      ed[s][0], gsem[s][0]).wait()
                pltpu.make_async_copy(eis[s].at[pl.ds(e + base_e, last_sz)],
                                      ed[s][1].at[pl.ds(0, last_sz)],
                                      gsem[s][1]).wait()
            zeros = jnp.zeros((16,), jnp.int32)
            for s in range(2):
                for g in range(zfill):
                    ed[s][1][pl.ds(last_sz + g * 16, 16)] = zeros

        def write_desc(s, b, cg, wait):
            @pl.when(cg < n_full)
            def _full():
                cp = pltpu.make_async_copy(
                    rows[s][b], outs[s].at[pl.ds(cg * _EPC, _EPC)], wsem[s][b])
                cp.wait() if wait else cp.start()
            if tail:
                @pl.when(cg == n_full)
                def _part():
                    cp = pltpu.make_async_copy(
                        rows[s][b].at[pl.ds(0, tail)],
                        outs[s].at[pl.ds(n_full * _EPC, tail)], wsem[s][b])
                    cp.wait() if wait else cp.start()

        def gather_desc(s, b, c_rel, wait):
            for h in range(2):
                cp = pltpu.make_async_copy(
                    data_hbm.at[ed[s][h].at[pl.ds(c_rel * _EPC, _EPC)]],
                    rows[s][b].at[:, pl.ds(h * d, d)], gsem[s][b])
                cp.wait() if wait else cp.start()

        def round_(j, carry):
            for b in range(_NBUF):
                c_new = j * _NBUF + b
                c_mid = c_new - _NBUF

                @pl.when(jnp.logical_and(c_mid >= 0, c_mid < my_cpw))
                def _drain_and_write():
                    for s in (0, 1):
                        gather_desc(s, b, c_mid, wait=True)
                    for s in (0, 1):
                        write_desc(s, b, base_chunk + c_mid, wait=False)

                @pl.when(c_new < my_cpw)
                def _fire():
                    @pl.when(c_mid >= 0)
                    def _wait_prev_write():
                        for s in (0, 1):
                            write_desc(s, b, base_chunk + c_mid, wait=True)
                    for s in (0, 1):
                        gather_desc(s, b, c_new, wait=False)

            return carry

        lax.fori_loop(0, rounds, round_, 0)

        for b in range(_NBUF):
            last_c = ((my_cpw - 1 - b) // _NBUF) * _NBUF + b

            @pl.when(last_c >= 0)
            def _drain_final():
                for s in (0, 1):
                    write_desc(s, b, base_chunk + last_c, wait=True)

    return gather_kernel


def kernel(data, edge_index_pos, edge_index_neg):
    n, d = data.shape
    e = edge_index_pos.shape[1]
    fn = _build(e, d)

    def prep(ei):
        return ei.astype(jnp.int32).reshape(-1)

    return fn(data, prep(edge_index_pos), prep(edge_index_neg))

# --- scband reference (transcript-rebuilt; emitter-appended) ---
"""Pipeline reference for scband-link-prediction-model-75849122447963 (READ-ONLY COPY).

The authoritative reference and input builder live on the scoring server;
editing this copy changes nothing except your own understanding.
"""

import jax, jax.numpy as jnp
import numpy as np

N_NODES = 100000
D_FEAT = 128
E = 100000


def setup_inputs(seed: int = 0) -> dict:
    key = jax.random.key(seed)
    k1, k2, k3 = jax.random.split(key, 3)
    data = jax.random.normal(k1, (N_NODES, D_FEAT), dtype=jnp.float32)
    edge_index_pos = jax.random.randint(k2, (2, E), 0, N_NODES, dtype=jnp.int64 if jax.config.jax_enable_x64 else jnp.int32)
    edge_index_neg = jax.random.randint(k3, (2, E), 0, N_NODES, dtype=jnp.int64 if jax.config.jax_enable_x64 else jnp.int32)
    return {"data": data, "edge_index_pos": edge_index_pos, "edge_index_neg": edge_index_neg}


def reference(data, edge_index_pos, edge_index_neg):
    # base_model = identity (wrapper passes node features through)
    x = data
    # gather source/dest node embeddings and concat along feature dim
    x_pos = jnp.concatenate([jnp.take(x, edge_index_pos[0], axis=0), jnp.take(x, edge_index_pos[1], axis=0)], axis=1)
    x_neg = jnp.concatenate([jnp.take(x, edge_index_neg[0], axis=0), jnp.take(x, edge_index_neg[1], axis=0)], axis=1)
    return (x_pos, x_neg)

if __name__ == "__main__":
    import jax
    _d = setup_inputs()
    print(jax.jit(kernel)(*tuple(_d.values())))

</pallas_src>

<mosaic_0001>
#map = affine_map<(d0, d1) -> (0, 0)>
#map1 = affine_map<(d0, d1) -> (0)>
module attributes {stable_mosaic.version = 14 : i64} {
  func.func @gather_kernel(%arg0: i32, %arg1: i32, %arg2: memref<100000x128xf32, #tpu.memory_space<hbm>>, %arg3: memref<200000xi32, #tpu.memory_space<hbm>>, %arg4: memref<200000xi32, #tpu.memory_space<hbm>>, %arg5: memref<100000x256xf32, #tpu.memory_space<hbm>>, %arg6: memref<100000x256xf32, #tpu.memory_space<hbm>>, %arg7: memref<3136xi32, #tpu.memory_space<vmem>>, %arg8: memref<3136xi32, #tpu.memory_space<vmem>>, %arg9: memref<3136xi32, #tpu.memory_space<vmem>>, %arg10: memref<3136xi32, #tpu.memory_space<vmem>>, %arg11: memref<64x256xf32, #tpu.memory_space<vmem>>, %arg12: memref<64x256xf32, #tpu.memory_space<vmem>>, %arg13: memref<64x256xf32, #tpu.memory_space<vmem>>, %arg14: memref<64x256xf32, #tpu.memory_space<vmem>>, %arg15: memref<64x256xf32, #tpu.memory_space<vmem>>, %arg16: memref<64x256xf32, #tpu.memory_space<vmem>>, %arg17: memref<!tpu.dma_semaphore, #tpu.memory_space<semaphore_mem>>, %arg18: memref<!tpu.dma_semaphore, #tpu.memory_space<semaphore_mem>>, %arg19: memref<!tpu.dma_semaphore, #tpu.memory_space<semaphore_mem>>, %arg20: memref<!tpu.dma_semaphore, #tpu.memory_space<semaphore_mem>>, %arg21: memref<!tpu.dma_semaphore, #tpu.memory_space<semaphore_mem>>, %arg22: memref<!tpu.dma_semaphore, #tpu.memory_space<semaphore_mem>>, %arg23: memref<!tpu.dma_semaphore, #tpu.memory_space<semaphore_mem>>, %arg24: memref<!tpu.dma_semaphore, #tpu.memory_space<semaphore_mem>>, %arg25: memref<!tpu.dma_semaphore, #tpu.memory_space<semaphore_mem>>, %arg26: memref<!tpu.dma_semaphore, #tpu.memory_space<semaphore_mem>>, %arg27: memref<!tpu.dma_semaphore, #tpu.memory_space<semaphore_mem>>, %arg28: memref<!tpu.dma_semaphore, #tpu.memory_space<semaphore_mem>>) attributes {dimension_semantics = [#tpu.dimension_semantics<core_parallel>, #tpu.dimension_semantics<subcore_parallel>], iteration_bounds = array<i64: 2, 16>, scalar_prefetch = 0 : i64, scratch_operands = 22 : i64, tpu.core_type = #tpu.core_type<sc_vector_subcore>, window_params = [{transform_indices = #map}, {transform_indices = #map1}, {transform_indices = #map1}, {transform_indices = #map}, {transform_indices = #map}]} {
    %eq3A = arith.constant 0 : i32
    %eq3A_0 = arith.cmpi eq, %arg0, %eq3A : i32
    %mul3A = arith.constant 49 : i32
    %mul3A_1 = arith.muli %arg1, %mul3A : i32
    %mul3A_2 = arith.constant 49 : i32
    %mul3A_3 = arith.muli %arg1, %mul3A_2 : i32
    %add3A = arith.constant 784 : i32
    %add3A_4 = arith.addi %add3A, %mul3A_3 : i32
    %select_n3A = arith.select %eq3A_0, %mul3A_1, %add3A_4 : i32
    %eq3A_5 = arith.constant 0 : i32
    %eq3A_6 = arith.cmpi eq, %arg0, %eq3A_5 : i32
    %jit3A = arith.constant 49 : i32
    %jit3A_7 = arith.constant 49 : i32
    %select_n3A_8 = arith.select %eq3A_6, %jit3A, %jit3A_7 : i32
    %mul3A_9 = arith.constant 64 : i32
    %mul3A_10 = arith.muli %select_n3A, %mul3A_9 : i32
    %eq3A_11 = arith.constant 1 : i32
    %eq3A_12 = arith.cmpi eq, %arg0, %eq3A_11 : i32
    %eq3A_13 = arith.constant 15 : i32
    %eq3A_14 = arith.cmpi eq, %arg1, %eq3A_13 : i32
    %and3A = arith.andi %eq3A_12, %eq3A_14 : i1
    %not3A = arith.constant true
    %not3A_15 = arith.xori %and3A, %not3A : i1
    %convert_element_type3A = arith.extui %not3A_15 : i1 to i32
    %cond3A = arith.constant 0 : i32
    %cond3A_16 = arith.cmpi ne, %convert_element_type3A, %cond3A : i32
    scf.if %cond3A_16 {
      %add3A_130 = arith.constant 0 : i32
      %add3A_131 = arith.addi %add3A_130, %mul3A_10 : i32
      %dma_start3A = tpu.memref_slice %arg3[%add3A_131] : memref<200000xi32, #tpu.memory_space<hbm>> -> memref<3136xi32, #tpu.memory_space<hbm>>
      %dma_start3A_132 = tpu.memref_slice %arg3[%add3A_131] : memref<200000xi32, #tpu.memory_space<hbm>> -> memref<3136xi32, #tpu.memory_space<hbm>>
      tpu.enqueue_dma source(%dma_start3A_132 : memref<3136xi32, #tpu.memory_space<hbm>>) target(%arg7 : memref<3136xi32, #tpu.memory_space<vmem>>) target_semaphore(%arg17 : memref<!tpu.dma_semaphore, #tpu.memory_space<semaphore_mem>>)
      %add3A_133 = arith.constant 100000 : i32
      %add3A_134 = arith.addi %add3A_133, %mul3A_10 : i32
      %dma_start3A_135 = tpu.memref_slice %arg3[%add3A_134] : memref<200000xi32, #tpu.memory_space<hbm>> -> memref<3136xi32, #tpu.memory_space<hbm>>
      %dma_start3A_136 = tpu.memref_slice %arg3[%add3A_134] : memref<200000xi32, #tpu.memory_space<hbm>> -> memref<3136xi32, #tpu.memory_space<hbm>>
      tpu.enqueue_dma source(%dma_start3A_136 : memref<3136xi32, #tpu.memory_space<hbm>>) target(%arg8 : memref<3136xi32, #tpu.memory_space<vmem>>) target_semaphore(%arg18 : memref<!tpu.dma_semaphore, #tpu.memory_space<semaphore_mem>>)
      %add3A_137 = arith.constant 0 : i32
      %add3A_138 = arith.addi %add3A_137, %mul3A_10 : i32
      %dma_start3A_139 = tpu.memref_slice %arg4[%add3A_138] : memref<200000xi32, #tpu.memory_space<hbm>> -> memref<3136xi32, #tpu.memory_space<hbm>>
      %dma_start3A_140 = tpu.memref_slice %arg4[%add3A_138] : memref<200000xi32, #tpu.memory_space<hbm>> -> memref<3136xi32, #tpu.memory_space<hbm>>
      tpu.enqueue_dma source(%dma_start3A_140 : memref<3136xi32, #tpu.memory_space<hbm>>) target(%arg9 : memref<3136xi32, #tpu.memory_space<vmem>>) target_semaphore(%arg20 : memref<!tpu.dma_semaphore, #tpu.memory_space<semaphore_mem>>)
      %add3A_141 = arith.constant 100000 : i32
      %add3A_142 = arith.addi %add3A_141, %mul3A_10 : i32
      %dma_start3A_143 = tpu.memref_slice %arg4[%add3A_142] : memref<200000xi32, #tpu.memory_space<hbm>> -> memref<3136xi32, #tpu.memory_space<hbm>>
      %dma_start3A_144 = tpu.memref_slice %arg4[%add3A_142] : memref<200000xi32, #tpu.memory_space<hbm>> -> memref<3136xi32, #tpu.memory_space<hbm>>
      tpu.enqueue_dma source(%dma_start3A_144 : memref<3136xi32, #tpu.memory_space<hbm>>) target(%arg10 : memref<3136xi32, #tpu.memory_space<vmem>>) target_semaphore(%arg21 : memref<!tpu.dma_semaphore, #tpu.memory_space<semaphore_mem>>)
      %add3A_145 = arith.constant 0 : i32
      %add3A_146 = arith.addi %add3A_145, %mul3A_10 : i32
      %dma_wait3A = tpu.memref_slice %arg3[%add3A_146] : memref<200000xi32, #tpu.memory_space<hbm>> -> memref<3136xi32, #tpu.memory_space<hbm>>
      %dma_wait3A_147 = tpu.memref_slice %arg3[%add3A_146] : memref<200000xi32, #tpu.memory_space<hbm>> -> memref<3136xi32, #tpu.memory_space<hbm>>
      tpu.wait_dma2 semaphore(%arg17 : memref<!tpu.dma_semaphore, #tpu.memory_space<semaphore_mem>>) src(%dma_wait3A_147 : memref<3136xi32, #tpu.memory_space<hbm>>) dst(%arg7 : memref<3136xi32, #tpu.memory_space<vmem>>)
      %add3A_148 = arith.constant 100000 : i32
      %add3A_149 = arith.addi %add3A_148, %mul3A_10 : i32
      %dma_wait3A_150 = tpu.memref_slice %arg3[%add3A_149] : memref<200000xi32, #tpu.memory_space<hbm>> -> memref<3136xi32, #tpu.memory_space<hbm>>
      %dma_wait3A_151 = tpu.memref_slice %arg3[%add3A_149] : memref<200000xi32, #tpu.memory_space<hbm>> -> memref<3136xi32, #tpu.memory_space<hbm>>
      tpu.wait_dma2 semaphore(%arg18 : memref<!tpu.dma_semaphore, #tpu.memory_space<semaphore_mem>>) src(%dma_wait3A_151 : memref<3136xi32, #tpu.memory_space<hbm>>) dst(%arg8 : memref<3136xi32, #tpu.memory_space<vmem>>)
      %add3A_152 = arith.constant 0 : i32
      %add3A_153 = arith.addi %add3A_152, %mul3A_10 : i32
      %dma_wait3A_154 = tpu.memref_slice %arg4[%add3A_153] : memref<200000xi32, #tpu.memory_space<hbm>> -> memref<3136xi32, #tpu.memory_space<hbm>>
      %dma_wait3A_155 = tpu.memref_slice %arg4[%add3A_153] : memref<200000xi32, #tpu.memory_space<hbm>> -> memref<3136xi32, #tpu.memory_space<hbm>>
      tpu.wait_dma2 semaphore(%arg20 : memref<!tpu.dma_semaphore, #tpu.memory_space<semaphore_mem>>) src(%dma_wait3A_155 : memref<3136xi32, #tpu.memory_space<hbm>>) dst(%arg9 : memref<3136xi32, #tpu.memory_space<vmem>>)
      %add3A_156 = arith.constant 100000 : i32
      %add3A_157 = arith.addi %add3A_156, %mul3A_10 : i32
      %dma_wait3A_158 = tpu.memref_slice %arg4[%add3A_157] : memref<200000xi32, #tpu.memory_space<hbm>> -> memref<3136xi32, #tpu.memory_space<hbm>>
      %dma_wait3A_159 = tpu.memref_slice %arg4[%add3A_157] : memref<200000xi32, #tpu.memory_space<hbm>> -> memref<3136xi32, #tpu.memory_space<hbm>>
      tpu.wait_dma2 semaphore(%arg21 : memref<!tpu.dma_semaphore, #tpu.memory_space<semaphore_mem>>) src(%dma_wait3A_159 : memref<3136xi32, #tpu.memory_space<hbm>>) dst(%arg10 : memref<3136xi32, #tpu.memory_space<vmem>>)
    } else {
    }
    %convert_element_type3A_17 = arith.extui %and3A : i1 to i32
    %cond3A_18 = arith.constant 0 : i32
    %cond3A_19 = arith.cmpi ne, %convert_element_type3A_17, %cond3A_18 : i32
    scf.if %cond3A_19 {
      %dma_start3A = tpu.memref_slice %arg3[%mul3A_10] : memref<200000xi32, #tpu.memory_space<hbm>> -> memref<3136xi32, #tpu.memory_space<hbm>>
      %dma_start3A_130 = tpu.memref_slice %arg3[%mul3A_10] : memref<200000xi32, #tpu.memory_space<hbm>> -> memref<3136xi32, #tpu.memory_space<hbm>>
      tpu.enqueue_dma source(%dma_start3A_130 : memref<3136xi32, #tpu.memory_space<hbm>>) target(%arg7 : memref<3136xi32, #tpu.memory_space<vmem>>) target_semaphore(%arg17 : memref<!tpu.dma_semaphore, #tpu.memory_space<semaphore_mem>>)
      %add3A_131 = arith.constant 100000 : i32
      %add3A_132 = arith.addi %add3A_131, %mul3A_10 : i32
      %dma_start3A_133 = arith.constant 0 : i32
      %dma_start3A_134 = tpu.memref_slice %arg8[%dma_start3A_133] : memref<3136xi32, #tpu.memory_space<vmem>> -> memref<2784xi32, #tpu.memory_space<vmem>>
      %dma_start3A_135 = tpu.memref_slice %arg3[%add3A_132] : memref<200000xi32, #tpu.memory_space<hbm>> -> memref<2784xi32, #tpu.memory_space<hbm>>
      %dma_start3A_136 = arith.constant 0 : i32
      %dma_start3A_137 = tpu.memref_slice %arg8[%dma_start3A_136] : memref<3136xi32, #tpu.memory_space<vmem>> -> memref<2784xi32, #tpu.memory_space<vmem>>
      %dma_start3A_138 = tpu.memref_slice %arg3[%add3A_132] : memref<200000xi32, #tpu.memory_space<hbm>> -> memref<2784xi32, #tpu.memory_space<hbm>>
      tpu.enqueue_dma source(%dma_start3A_138 : memref<2784xi32, #tpu.memory_space<hbm>>) target(%dma_start3A_137 : memref<2784xi32, #tpu.memory_space<vmem>>) target_semaphore(%arg18 : memref<!tpu.dma_semaphore, #tpu.memory_space<semaphore_mem>>)
      %dma_start3A_139 = tpu.memref_slice %arg4[%mul3A_10] : memref<200000xi32, #tpu.memory_space<hbm>> -> memref<3136xi32, #tpu.memory_space<hbm>>
      %dma_start3A_140 = tpu.memref_slice %arg4[%mul3A_10] : memref<200000xi32, #tpu.memory_space<hbm>> -> memref<3136xi32, #tpu.memory_space<hbm>>
      tpu.enqueue_dma source(%dma_start3A_140 : memref<3136xi32, #tpu.memory_space<hbm>>) target(%arg9 : memref<3136xi32, #tpu.memory_space<vmem>>) target_semaphore(%arg20 : memref<!tpu.dma_semaphore, #tpu.memory_space<semaphore_mem>>)
      %add3A_141 = arith.constant 100000 : i32
      %add3A_142 = arith.addi %add3A_141, %mul3A_10 : i32
      %dma_start3A_143 = arith.constant 0 : i32
      %dma_start3A_144 = tpu.memref_slice %arg10[%dma_start3A_143] : memref<3136xi32, #tpu.memory_space<vmem>> -> memref<2784xi32, #tpu.memory_space<vmem>>
      %dma_start3A_145 = tpu.memref_slice %arg4[%add3A_142] : memref<200000xi32, #tpu.memory_space<hbm>> -> memref<2784xi32, #tpu.memory_space<hbm>>
      %dma_start3A_146 = arith.constant 0 : i32
      %dma_start3A_147 = tpu.memref_slice %arg10[%dma_start3A_146] : memref<3136xi32, #tpu.memory_space<vmem>> -> memref<2784xi32, #tpu.memory_space<vmem>>
      %dma_start3A_148 = tpu.memref_slice %arg4[%add3A_142] : memref<200000xi32, #tpu.memory_space<hbm>> -> memref<2784xi32, #tpu.memory_space<hbm>>
      tpu.enqueue_dma source(%dma_start3A_148 : memref<2784xi32, #tpu.memory_space<hbm>>) target(%dma_start3A_147 : memref<2784xi32, #tpu.memory_space<vmem>>) target_semaphore(%arg21 : memref<!tpu.dma_semaphore, #tpu.memory_space<semaphore_mem>>)
      %dma_wait3A = tpu.memref_slice %arg3[%mul3A_10] : memref<200000xi32, #tpu.memory_space<hbm>> -> memref<3136xi32, #tpu.memory_space<hbm>>
      %dma_wait3A_149 = tpu.memref_slice %arg3[%mul3A_10] : memref<200000xi32, #tpu.memory_space<hbm>> -> memref<3136xi32, #tpu.memory_space<hbm>>
      tpu.wait_dma2 semaphore(%arg17 : memref<!tpu.dma_semaphore, #tpu.memory_space<semaphore_mem>>) src(%dma_wait3A_149 : memref<3136xi32, #tpu.memory_space<hbm>>) dst(%arg7 : memref<3136xi32, #tpu.memory_space<vmem>>)
      %add3A_150 = arith.constant 100000 : i32
      %add3A_151 = arith.addi %add3A_150, %mul3A_10 : i32
      %dma_wait3A_152 = arith.constant 0 : i32
      %dma_wait3A_153 = tpu.memref_slice %arg8[%dma_wait3A_152] : memref<3136xi32, #tpu.memory_space<vmem>> -> memref<2784xi32, #tpu.memory_space<vmem>>
      %dma_wait3A_154 = tpu.memref_slice %arg3[%add3A_151] : memref<200000xi32, #tpu.memory_space<hbm>> -> memref<2784xi32, #tpu.memory_space<hbm>>
      %dma_wait3A_155 = arith.constant 0 : i32
      %dma_wait3A_156 = tpu.memref_slice %arg8[%dma_wait3A_155] : memref<3136xi32, #tpu.memory_space<vmem>> -> memref<2784xi32, #tpu.memory_space<vmem>>
      %dma_wait3A_157 = tpu.memref_slice %arg3[%add3A_151] : memref<200000xi32, #tpu.memory_space<hbm>> -> memref<2784xi32, #tpu.memory_space<hbm>>
      tpu.wait_dma2 semaphore(%arg18 : memref<!tpu.dma_semaphore, #tpu.memory_space<semaphore_mem>>) src(%dma_wait3A_157 : memref<2784xi32, #tpu.memory_space<hbm>>) dst(%dma_wait3A_156 : memref<2784xi32, #tpu.memory_space<vmem>>)
      %dma_wait3A_158 = tpu.memref_slice %arg4[%mul3A_10] : memref<200000xi32, #tpu.memory_space<hbm>> -> memref<3136xi32, #tpu.memory_space<hbm>>
      %dma_wait3A_159 = tpu.memref_slice %arg4[%mul3A_10] : memref<200000xi32, #tpu.memory_space<hbm>> -> memref<3136xi32, #tpu.memory_space<hbm>>
      tpu.wait_dma2 semaphore(%arg20 : memref<!tpu.dma_semaphore, #tpu.memory_space<semaphore_mem>>) src(%dma_wait3A_159 : memref<3136xi32, #tpu.memory_space<hbm>>) dst(%arg9 : memref<3136xi32, #tpu.memory_space<vmem>>)
      %add3A_160 = arith.constant 100000 : i32
      %add3A_161 = arith.addi %add3A_160, %mul3A_10 : i32
      %dma_wait3A_162 = arith.constant 0 : i32
      %dma_wait3A_163 = tpu.memref_slice %arg10[%dma_wait3A_162] : memref<3136xi32, #tpu.memory_space<vmem>> -> memref<2784xi32, #tpu.memory_space<vmem>>
      %dma_wait3A_164 = tpu.memref_slice %arg4[%add3A_161] : memref<200000xi32, #tpu.memory_space<hbm>> -> memref<2784xi32, #tpu.memory_space<hbm>>
      %dma_wait3A_165 = arith.constant 0 : i32
      %dma_wait3A_166 = tpu.memref_slice %arg10[%dma_wait3A_165] : memref<3136xi32, #tpu.memory_space<vmem>> -> memref<2784xi32, #tpu.memory_space<vmem>>
      %dma_wait3A_167 = tpu.memref_slice %arg4[%add3A_161] : memref<200000xi32, #tpu.memory_space<hbm>> -> memref<2784xi32, #tpu.memory_space<hbm>>
      tpu.wait_dma2 semaphore(%arg21 : memref<!tpu.dma_semaphore, #tpu.memory_space<semaphore_mem>>) src(%dma_wait3A_167 : memref<2784xi32, #tpu.memory_space<hbm>>) dst(%dma_wait3A_166 : memref<2784xi32, #tpu.memory_space<vmem>>)
      %broadcast_in_dim3A = arith.constant 0 : i32
      %broadcast_in_dim3A_168 = vector.broadcast %broadcast_in_dim3A : i32 to vector<16xi32>
      %swap3A = arith.constant 2784 : index
      %swap3A_169 = tpu.vector_load %arg8[%swap3A] {strides = array<i32>} : memref<3136xi32, #tpu.memory_space<vmem>>, vector<16xi32>,
      %swap3A_170 = vector.shape_cast %swap3A_169 : vector<16xi32> to vector<16xi32>
      %swap3A_171 = vector.shape_cast %broadcast_in_dim3A_168 : vector<16xi32> to vector<16xi32>
      tpu.vector_store %arg8[%swap3A], %swap3A_171 {strides = array<i32>} : memref<3136xi32, #tpu.memory_space<vmem>>, vector<16xi32>,
      %swap3A_172 = arith.constant 2800 : index
      %swap3A_173 = tpu.vector_load %arg8[%swap3A_172] {strides = array<i32>} : memref<3136xi32, #tpu.memory_space<vmem>>, vector<16xi32>,
      %swap3A_174 = vector.shape_cast %swap3A_173 : vector<16xi32> to vector<16xi32>
      %swap3A_175 = vector.shape_cast %broadcast_in_dim3A_168 : vector<16xi32> to vector<16xi32>
      tpu.vector_store %arg8[%swap3A_172], %swap3A_175 {strides = array<i32>} : memref<3136xi32, #tpu.memory_space<vmem>>, vector<16xi32>,
      %swap3A_176 = arith.constant 2816 : index
      %swap3A_177 = tpu.vector_load %arg8[%swap3A_176] {strides = array<i32>} : memref<3136xi32, #tpu.memory_space<vmem>>, vector<16xi32>,
      %swap3A_178 = vector.shape_cast %swap3A_177 : vector<16xi32> to vector<16xi32>
      %swap3A_179 = vector.shape_cast %broadcast_in_dim3A_168 : vector<16xi32> to vector<16xi32>
      tpu.vector_store %arg8[%swap3A_176], %swap3A_179 {strides = array<i32>} : memref<3136xi32, #tpu.memory_space<vmem>>, vector<16xi32>,
      %swap3A_180 = arith.constant 2832 : index
      %swap3A_181 = tpu.vector_load %arg8[%swap3A_180] {strides = array<i32>} : memref<3136xi32, #tpu.memory_space<vmem>>, vector<16xi32>,
      %swap3A_182 = vector.shape_cast %swap3A_181 : vector<16xi32> to vector<16xi32>
      %swap3A_183 = vector.shape_cast %broadcast_in_dim3A_168 : vector<16xi32> to vector<16xi32>
      tpu.vector_store %arg8[%swap3A_180], %swap3A_183 {strides = array<i32>} : memref<3136xi32, #tpu.memory_space<vmem>>, vector<16xi32>,
      %swap3A_184 = arith.constant 2848 : index
      %swap3A_185 = tpu.vector_load %arg8[%swap3A_184] {strides = array<i32>} : memref<3136xi32, #tpu.memory_space<vmem>>, vector<16xi32>,
      %swap3A_186 = vector.shape_cast %swap3A_185 : vector<16xi32> to vector<16xi32>
      %swap3A_187 = vector.shape_cast %broadcast_in_dim3A_168 : vector<16xi32> to vector<16xi32>
      tpu.vector_store %arg8[%swap3A_184], %swap3A_187 {strides = array<i32>} : memref<3136xi32, #tpu.memory_space<vmem>>, vector<16xi32>,
      %swap3A_188 = arith.constant 2864 : index
      %swap3A_189 = tpu.vector_load %arg8[%swap3A_188] {strides = array<i32>} : memref<3136xi32, #tpu.memory_space<vmem>>, vector<16xi32>,
      %swap3A_190 = vector.shape_cast %swap3A_189 : vector<16xi32> to vector<16xi32>
      %swap3A_191 = vector.shape_cast %broadcast_in_dim3A_168 : vector<16xi32> to vector<16xi32>
      tpu.vector_store %arg8[%swap3A_188], %swap3A_191 {strides = array<i32>} : memref<3136xi32, #tpu.memory_space<vmem>>, vector<16xi32>,
      %swap3A_192 = arith.constant 2880 : index
      %swap3A_193 = tpu.vector_load %arg8[%swap3A_192] {strides = array<i32>} : memref<3136xi32, #tpu.memory_space<vmem>>, vector<16xi32>,
      %swap3A_194 = vector.shape_cast %swap3A_193 : vector<16xi32> to vector<16xi32>
      %swap3A_195 = vector.shape_cast %broadcast_in_dim3A_168 : vector<16xi32> to vector<16xi32>
      tpu.vector_store %arg8[%swap3A_192], %swap3A_195 {strides = array<i32>} : memref<3136xi32, #tpu.memory_space<vmem>>, vector<16xi32>,
      %swap3A_196 = arith.constant 2896 : index
      %swap3A_197 = tpu.vector_load %arg8[%swap3A_196] {strides = array<i32>} : memref<3136xi32, #tpu.memory_space<vmem>>, vector<16xi32>,
      %swap3A_198 = vector.shape_cast %swap3A_197 : vector<16xi32> to vector<16xi32>
      %swap3A_199 = vector.shape_cast %broadcast_in_dim3A_168 : vector<16xi32> to vector<16xi32>
      tpu.vector_store %arg8[%swap3A_196], %swap3A_199 {strides = array<i32>} : memref<3136xi32, #tpu.memory_space<vmem>>, vector<16xi32>,
      %swap3A_200 = arith.constant 2912 : index
      %swap3A_201 = tpu.vector_load %arg8[%swap3A_200] {strides = array<i32>} : memref<3136xi32, #tpu.memory_space<vmem>>, vector<16xi32>,
      %swap3A_202 = vector.shape_cast %swap3A_201 : vector<16xi32> to vector<16xi32>
      %swap3A_203 = vector.shape_cast %broadcast_in_dim3A_168 : vector<16xi32> to vector<16xi32>
      tpu.vector_store %arg8[%swap3A_200], %swap3A_203 {strides = array<i32>} : memref<3136xi32, #tpu.memory_space<vmem>>, vector<16xi32>,
      %swap3A_204 = arith.constant 2928 : index
      %swap3A_205 = tpu.vector_load %arg8[%swap3A_204] {strides = array<i32>} : memref<3136xi32, #tpu.memory_space<vmem>>, vector<16xi32>,
      %swap3A_206 = vector.shape_cast %swap3A_205 : vector<16xi32> to vector<16xi32>
      %swap3A_207 = vector.shape_cast %broadcast_in_dim3A_168 : vector<16xi32> to vector<16xi32>
      tpu.vector_store %arg8[%swap3A_204], %swap3A_207 {strides = array<i32>} : memref<3136xi32, #tpu.memory_space<vmem>>, vector<16xi32>,
      %swap3A_208 = arith.constant 2944 : index
      %swap3A_209 = tpu.vector_load %arg8[%swap3A_208] {strides = array<i32>} : memref<3136xi32, #tpu.memory_space<vmem>>, vector<16xi32>,
      %swap3A_210 = vector.shape_cast %swap3A_209 : vector<16xi32> to vector<16xi32>
      %swap3A_211 = vector.shape_cast %broadcast_in_dim3A_168 : vector<16xi32> to vector<16xi32>
      tpu.vector_store %arg8[%swap3A_208], %swap3A_211 {strides = array<i32>} : memref<3136xi32, #tpu.memory_space<vmem>>, vector<16xi32>,
      %swap3A_212 = arith.constant 2960 : index
      %swap3A_213 = tpu.vector_load %arg8[%swap3A_212] {strides = array<i32>} : memref<3136xi32, #tpu.memory_space<vmem>>, vector<16xi32>,
      %swap3A_214 = vector.shape_cast %swap3A_213 : vector<16xi32> to vector<16xi32>
      %swap3A_215 = vector.shape_cast %broadcast_in_dim3A_168 : vector<16xi32> to vector<16xi32>
      tpu.vector_store %arg8[%swap3A_212], %swap3A_215 {strides = array<i32>} : memref<3136xi32, #tpu.memory_space<vmem>>, vector<16xi32>,
      %swap3A_216 = arith.constant 2976 : index
      %swap3A_217 = tpu.vector_load %arg8[%swap3A_216] {strides = array<i32>} : memref<3136xi32, #tpu.memory_space<vmem>>, vector<16xi32>,
      %swap3A_218 = vector.shape_cast %swap3A_217 : vector<16xi32> to vector<16xi32>
      %swap3A_219 = vector.shape_cast %broadcast_in_dim3A_168 : vector<16xi32> to vector<16xi32>
      tpu.vector_store %arg8[%swap3A_216], %swap3A_219 {strides = array<i32>} : memref<3136xi32, #tpu.memory_space<vmem>>, vector<16xi32>,
      %swap3A_220 = arith.constant 2992 : index
      %swap3A_221 = tpu.vector_load %arg8[%swap3A_220] {strides = array<i32>} : memref<3136xi32, #tpu.memory_space<vmem>>, vector<16xi32>,
      %swap3A_222 = vector.shape_cast %swap3A_221 : vector<16xi32> to vector<16xi32>
      %swap3A_223 = vector.shape_cast %broadcast_in_dim3A_168 : vector<16xi32> to vector<16xi32>
      tpu.vector_store %arg8[%swap3A_220], %swap3A_223 {strides = array<i32>} : memref<3136xi32, #tpu.memory_space<vmem>>, vector<16xi32>,
      %swap3A_224 = arith.constant 3008 : index
      %swap3A_225 = tpu.vector_load %arg8[%swap3A_224] {strides = array<i32>} : memref<3136xi32, #tpu.memory_space<vmem>>, vector<16xi32>,
      %swap3A_226 = vector.shape_cast %swap3A_225 : vector<16xi32> to vector<16xi32>
      %swap3A_227 = vector.shape_cast %broadcast_in_dim3A_168 : vector<16xi32> to vector<16xi32>
      tpu.vector_store %arg8[%swap3A_224], %swap3A_227 {strides = array<i32>} : memref<3136xi32, #tpu.memory_space<vmem>>, vector<16xi32>,
      %swap3A_228 = arith.constant 3024 : index
      %swap3A_229 = tpu.vector_load %arg8[%swap3A_228] {strides = array<i32>} : memref<3136xi32, #tpu.memory_space<vmem>>, vector<16xi32>,
      %swap3A_230 = vector.shape_cast %swap3A_229 : vector<16xi32> to vector<16xi32>
      %swap3A_231 = vector.shape_cast %broadcast_in_dim3A_168 : vector<16xi32> to vector<16xi32>
      tpu.vector_store %arg8[%swap3A_228], %swap3A_231 {strides = array<i32>} : memref<3136xi32, #tpu.memory_space<vmem>>, vector<16xi32>,
      %swap3A_232 = arith.constant 3040 : index
      %swap3A_233 = tpu.vector_load %arg8[%swap3A_232] {strides = array<i32>} : memref<3136xi32, #tpu.memory_space<vmem>>, vector<16xi32>,
      %swap3A_234 = vector.shape_cast %swap3A_233 : vector<16xi32> to vector<16xi32>
      %swap3A_235 = vector.shape_cast %broadcast_in_dim3A_168 : vector<16xi32> to vector<16xi32>
      tpu.vector_store %arg8[%swap3A_232], %swap3A_235 {strides = array<i32>} : memref<3136xi32, #tpu.memory_space<vmem>>, vector<16xi32>,
      %swap3A_236 = arith.constant 3056 : index
      %swap3A_237 = tpu.vector_load %arg8[%swap3A_236] {strides = array<i32>} : memref<3136xi32, #tpu.memory_space<vmem>>, vector<16xi32>,
      %swap3A_238 = vector.shape_cast %swap3A_237 : vector<16xi32> to vector<16xi32>
      %swap3A_239 = vector.shape_cast %broadcast_in_dim3A_168 : vector<16xi32> to vector<16xi32>
      tpu.vector_store %arg8[%swap3A_236], %swap3A_239 {strides = array<i32>} : memref<3136xi32, #tpu.memory_space<vmem>>, vector<16xi32>,
      %swap3A_240 = arith.constant 3072 : index
      %swap3A_241 = tpu.vector_load %arg8[%swap3A_240] {strides = array<i32>} : memref<3136xi32, #tpu.memory_space<vmem>>, vector<16xi32>,
      %swap3A_242 = vector.shape_cast %swap3A_241 : vector<16xi32> to vector<16xi32>
      %swap3A_243 = vector.shape_cast %broadcast_in_dim3A_168 : vector<16xi32> to vector<16xi32>
      tpu.vector_store %arg8[%swap3A_240], %swap3A_243 {strides = array<i32>} : memref<3136xi32, #tpu.memory_space<vmem>>, vector<16xi32>,
      %swap3A_244 = arith.constant 3088 : index
      %swap3A_245 = tpu.vector_load %arg8[%swap3A_244] {strides = array<i32>} : memref<3136xi32, #tpu.memory_space<vmem>>, vector<16xi32>,
      %swap3A_246 = vector.shape_cast %swap3A_245 : vector<16xi32> to vector<16xi32>
      %swap3A_247 = vector.shape_cast %broadcast_in_dim3A_168 : vector<16xi32> to vector<16xi32>
      tpu.vector_store %arg8[%swap3A_244], %swap3A_247 {strides = array<i32>} : memref<3136xi32, #tpu.memory_space<vmem>>, vector<16xi32>,
      %swap3A_248 = arith.constant 3104 : index
      %swap3A_249 = tpu.vector_load %arg8[%swap3A_248] {strides = array<i32>} : memref<3136xi32, #tpu.memory_space<vmem>>, vector<16xi32>,
      %swap3A_250 = vector.shape_cast %swap3A_249 : vector<16xi32> to vector<16xi32>
      %swap3A_251 = vector.shape_cast %broadcast_in_dim3A_168 : vector<16xi32> to vector<16xi32>
      tpu.vector_store %arg8[%swap3A_248], %swap3A_251 {strides = array<i32>} : memref<3136xi32, #tpu.memory_space<vmem>>, vector<16xi32>,
      %swap3A_252 = arith.constant 3120 : index
      %swap3A_253 = tpu.vector_load %arg8[%swap3A_252] {strides = array<i32>} : memref<3136xi32, #tpu.memory_space<vmem>>, vector<16xi32>,
      %swap3A_254 = vector.shape_cast %swap3A_253 : vector<16xi32> to vector<16xi32>
      %swap3A_255 = vector.shape_cast %broadcast_in_dim3A_168 : vector<16xi32> to vector<16xi32>
      tpu.vector_store %arg8[%swap3A_252], %swap3A_255 {strides = array<i32>} : memref<3136xi32, #tpu.memory_space<vmem>>, vector<16xi32>,
      %swap3A_256 = arith.constant 2784 : index
      %swap3A_257 = tpu.vector_load %arg10[%swap3A_256] {strides = array<i32>} : memref<3136xi32, #tpu.memory_space<vmem>>, vector<16xi32>,
      %swap3A_258 = vector.shape_cast %swap3A_257 : vector<16xi32> to vector<16xi32>
      %swap3A_259 = vector.shape_cast %broadcast_in_dim3A_168 : vector<16xi32> to vector<16xi32>
      tpu.vector_store %arg10[%swap3A_256], %swap3A_259 {strides = array<i32>} : memref<3136xi32, #tpu.memory_space<vmem>>, vector<16xi32>,
      %swap3A_260 = arith.constant 2800 : index
      %swap3A_261 = tpu.vector_load %arg10[%swap3A_260] {strides = array<i32>} : memref<3136xi32, #tpu.memory_space<vmem>>, vector<16xi32>,
      %swap3A_262 = vector.shape_cast %swap3A_261 : vector<16xi32> to vector<16xi32>
      %swap3A_263 = vector.shape_cast %broadcast_in_dim3A_168 : vector<16xi32> to vector<16xi32>
      tpu.vector_store %arg10[%swap3A_260], %swap3A_263 {strides = array<i32>} : memref<3136xi32, #tpu.memory_space<vmem>>, vector<16xi32>,
      %swap3A_264 = arith.constant 2816 : index
      %swap3A_265 = tpu.vector_load %arg10[%swap3A_264] {strides = array<i32>} : memref<3136xi32, #tpu.memory_space<vmem>>, vector<16xi32>,
      %swap3A_266 = vector.shape_cast %swap3A_265 : vector<16xi32> to vector<16xi32>
      %swap3A_267 = vector.shape_cast %broadcast_in_dim3A_168 : vector<16xi32> to vector<16xi32>
      tpu.vector_store %arg10[%swap3A_264], %swap3A_267 {strides = array<i32>} : memref<3136xi32, #tpu.memory_space<vmem>>, vector<16xi32>,
      %swap3A_268 = arith.constant 2832 : index
      %swap3A_269 = tpu.vector_load %arg10[%swap3A_268] {strides = array<i32>} : memref<3136xi32, #tpu.memory_space<vmem>>, vector<16xi32>,
      %swap3A_270 = vector.shape_cast %swap3A_269 : vector<16xi32> to vector<16xi32>
      %swap3A_271 = vector.shape_cast %broadcast_in_dim3A_168 : vector<16xi32> to vector<16xi32>
      tpu.vector_store %arg10[%swap3A_268], %swap3A_271 {strides = array<i32>} : memref<3136xi32, #tpu.memory_space<vmem>>, vector<16xi32>,
      %swap3A_272 = arith.constant 2848 : index
      %swap3A_273 = tpu.vector_load %arg10[%swap3A_272] {strides = array<i32>} : memref<3136xi32, #tpu.memory_space<vmem>>, vector<16xi32>,
      %swap3A_274 = vector.shape_cast %swap3A_273 : vector<16xi32> to vector<16xi32>
      %swap3A_275 = vector.shape_cast %broadcast_in_dim3A_168 : vector<16xi32> to vector<16xi32>
      tpu.vector_store %arg10[%swap3A_272], %swap3A_275 {strides = array<i32>} : memref<3136xi32, #tpu.memory_space<vmem>>, vector<16xi32>,
      %swap3A_276 = arith.constant 2864 : index
      %swap3A_277 = tpu.vector_load %arg10[%swap3A_276] {strides = array<i32>} : memref<3136xi32, #tpu.memory_space<vmem>>, vector<16xi32>,
      %swap3A_278 = vector.shape_cast %swap3A_277 : vector<16xi32> to vector<16xi32>
      %swap3A_279 = vector.shape_cast %broadcast_in_dim3A_168 : vector<16xi32> to vector<16xi32>
      tpu.vector_store %arg10[%swap3A_276], %swap3A_279 {strides = array<i32>} : memref<3136xi32, #tpu.memory_space<vmem>>, vector<16xi32>,
      %swap3A_280 = arith.constant 2880 : index
      %swap3A_281 = tpu.vector_load %arg10[%swap3A_280] {strides = array<i32>} : memref<3136xi32, #tpu.memory_space<vmem>>, vector<16xi32>,
      %swap3A_282 = vector.shape_cast %swap3A_281 : vector<16xi32> to vector<16xi32>
      %swap3A_283 = vector.shape_cast %broadcast_in_dim3A_168 : vector<16xi32> to vector<16xi32>
      tpu.vector_store %arg10[%swap3A_280], %swap3A_283 {strides = array<i32>} : memref<3136xi32, #tpu.memory_space<vmem>>, vector<16xi32>,
      %swap3A_284 = arith.constant 2896 : index
      %swap3A_285 = tpu.vector_load %arg10[%swap3A_284] {strides = array<i32>} : memref<3136xi32, #tpu.memory_space<vmem>>, vector<16xi32>,
      %swap3A_286 = vector.shape_cast %swap3A_285 : vector<16xi32> to vector<16xi32>
      %swap3A_287 = vector.shape_cast %broadcast_in_dim3A_168 : vector<16xi32> to vector<16xi32>
      tpu.vector_store %arg10[%swap3A_284], %swap3A_287 {strides = array<i32>} : memref<3136xi32, #tpu.memory_space<vmem>>, vector<16xi32>,
      %swap3A_288 = arith.constant 2912 : index
      %swap3A_289 = tpu.vector_load %arg10[%swap3A_288] {strides = array<i32>} : memref<3136xi32, #tpu.memory_space<vmem>>, vector<16xi32>,
      %swap3A_290 = vector.shape_cast %swap3A_289 : vector<16xi32> to vector<16xi32>
      %swap3A_291 = vector.shape_cast %broadcast_in_dim3A_168 : vector<16xi32> to vector<16xi32>
      tpu.vector_store %arg10[%swap3A_288], %swap3A_291 {strides = array<i32>} : memref<3136xi32, #tpu.memory_space<vmem>>, vector<16xi32>,
      %swap3A_292 = arith.constant 2928 : index
      %swap3A_293 = tpu.vector_load %arg10[%swap3A_292] {strides = array<i32>} : memref<3136xi32, #tpu.memory_space<vmem>>, vector<16xi32>,
      %swap3A_294 = vector.shape_cast %swap3A_293 : vector<16xi32> to vector<16xi32>
      %swap3A_295 = vector.shape_cast %broadcast_in_dim3A_168 : vector<16xi32> to vector<16xi32>
      tpu.vector_store %arg10[%swap3A_292], %swap3A_295 {strides = array<i32>} : memref<3136xi32, #tpu.memory_space<vmem>>, vector<16xi32>,
      %swap3A_296 = arith.constant 2944 : index
      %swap3A_297 = tpu.vector_load %arg10[%swap3A_296] {strides = array<i32>} : memref<3136xi32, #tpu.memory_space<vmem>>, vector<16xi32>,
      %swap3A_298 = vector.shape_cast %swap3A_297 : vector<16xi32> to vector<16xi32>
      %swap3A_299 = vector.shape_cast %broadcast_in_dim3A_168 : vector<16xi32> to vector<16xi32>
      tpu.vector_store %arg10[%swap3A_296], %swap3A_299 {strides = array<i32>} : memref<3136xi32, #tpu.memory_space<vmem>>, vector<16xi32>,
      %swap3A_300 = arith.constant 2960 : index
      %swap3A_301 = tpu.vector_load %arg10[%swap3A_300] {strides = array<i32>} : memref<3136xi32, #tpu.memory_space<vmem>>, vector<16xi32>,
      %swap3A_302 = vector.shape_cast %swap3A_301 : vector<16xi32> to vector<16xi32>
      %swap3A_303 = vector.shape_cast %broadcast_in_dim3A_168 : vector<16xi32> to vector<16xi32>
      tpu.vector_store %arg10[%swap3A_300], %swap3A_303 {strides = array<i32>} : memref<3136xi32, #tpu.memory_space<vmem>>, vector<16xi32>,
      %swap3A_304 = arith.constant 2976 : index
      %swap3A_305 = tpu.vector_load %arg10[%swap3A_304] {strides = array<i32>} : memref<3136xi32, #tpu.memory_space<vmem>>, vector<16xi32>,
      %swap3A_306 = vector.shape_cast %swap3A_305 : vector<16xi32> to vector<16xi32>
      %swap3A_307 = vector.shape_cast %broadcast_in_dim3A_168 : vector<16xi32> to vector<16xi32>
      tpu.vector_store %arg10[%swap3A_304], %swap3A_307 {strides = array<i32>} : memref<3136xi32, #tpu.memory_space<vmem>>, vector<16xi32>,
      %swap3A_308 = arith.constant 2992 : index
      %swap3A_309 = tpu.vector_load %arg10[%swap3A_308] {strides = array<i32>} : memref<3136xi32, #tpu.memory_space<vmem>>, vector<16xi32>,
      %swap3A_310 = vector.shape_cast %swap3A_309 : vector<16xi32> to vector<16xi32>
      %swap3A_311 = vector.shape_cast %broadcast_in_dim3A_168 : vector<16xi32> to vector<16xi32>
      tpu.vector_store %arg10[%swap3A_308], %swap3A_311 {strides = array<i32>} : memref<3136xi32, #tpu.memory_space<vmem>>, vector<16xi32>,
      %swap3A_312 = arith.constant 3008 : index
      %swap3A_313 = tpu.vector_load %arg10[%swap3A_312] {strides = array<i32>} : memref<3136xi32, #tpu.memory_space<vmem>>, vector<16xi32>,
      %swap3A_314 = vector.shape_cast %swap3A_313 : vector<16xi32> to vector<16xi32>
      %swap3A_315 = vector.shape_cast %broadcast_in_dim3A_168 : vector<16xi32> to vector<16xi32>
      tpu.vector_store %arg10[%swap3A_312], %swap3A_315 {strides = array<i32>} : memref<3136xi32, #tpu.memory_space<vmem>>, vector<16xi32>,
      %swap3A_316 = arith.constant 3024 : index
      %swap3A_317 = tpu.vector_load %arg10[%swap3A_316] {strides = array<i32>} : memref<3136xi32, #tpu.memory_space<vmem>>, vector<16xi32>,
      %swap3A_318 = vector.shape_cast %swap3A_317 : vector<16xi32> to vector<16xi32>
      %swap3A_319 = vector.shape_cast %broadcast_in_dim3A_168 : vector<16xi32> to vector<16xi32>
      tpu.vector_store %arg10[%swap3A_316], %swap3A_319 {strides = array<i32>} : memref<3136xi32, #tpu.memory_space<vmem>>, vector<16xi32>,
      %swap3A_320 = arith.constant 3040 : index
      %swap3A_321 = tpu.vector_load %arg10[%swap3A_320] {strides = array<i32>} : memref<3136xi32, #tpu.memory_space<vmem>>, vector<16xi32>,
      %swap3A_322 = vector.shape_cast %swap3A_321 : vector<16xi32> to vector<16xi32>
      %swap3A_323 = vector.shape_cast %broadcast_in_dim3A_168 : vector<16xi32> to vector<16xi32>
      tpu.vector_store %arg10[%swap3A_320], %swap3A_323 {strides = array<i32>} : memref<3136xi32, #tpu.memory_space<vmem>>, vector<16xi32>,
      %swap3A_324 = arith.constant 3056 : index
      %swap3A_325 = tpu.vector_load %arg10[%swap3A_324] {strides = array<i32>} : memref<3136xi32, #tpu.memory_space<vmem>>, vector<16xi32>,
      %swap3A_326 = vector.shape_cast %swap3A_325 : vector<16xi32> to vector<16xi32>
      %swap3A_327 = vector.shape_cast %broadcast_in_dim3A_168 : vector<16xi32> to vector<16xi32>
      tpu.vector_store %arg10[%swap3A_324], %swap3A_327 {strides = array<i32>} : memref<3136xi32, #tpu.memory_space<vmem>>, vector<16xi32>,
      %swap3A_328 = arith.constant 3072 : index
      %swap3A_329 = tpu.vector_load %arg10[%swap3A_328] {strides = array<i32>} : memref<3136xi32, #tpu.memory_space<vmem>>, vector<16xi32>,
      %swap3A_330 = vector.shape_cast %swap3A_329 : vector<16xi32> to vector<16xi32>
      %swap3A_331 = vector.shape_cast %broadcast_in_dim3A_168 : vector<16xi32> to vector<16xi32>
      tpu.vector_store %arg10[%swap3A_328], %swap3A_331 {strides = array<i32>} : memref<3136xi32, #tpu.memory_space<vmem>>, vector<16xi32>,
      %swap3A_332 = arith.constant 3088 : index
      %swap3A_333 = tpu.vector_load %arg10[%swap3A_332] {strides = array<i32>} : memref<3136xi32, #tpu.memory_space<vmem>>, vector<16xi32>,
      %swap3A_334 = vector.shape_cast %swap3A_333 : vector<16xi32> to vector<16xi32>
      %swap3A_335 = vector.shape_cast %broadcast_in_dim3A_168 : vector<16xi32> to vector<16xi32>
      tpu.vector_store %arg10[%swap3A_332], %swap3A_335 {strides = array<i32>} : memref<3136xi32, #tpu.memory_space<vmem>>, vector<16xi32>,
      %swap3A_336 = arith.constant 3104 : index
      %swap3A_337 = tpu.vector_load %arg10[%swap3A_336] {strides = array<i32>} : memref<3136xi32, #tpu.memory_space<vmem>>, vector<16xi32>,
      %swap3A_338 = vector.shape_cast %swap3A_337 : vector<16xi32> to vector<16xi32>
      %swap3A_339 = vector.shape_cast %broadcast_in_dim3A_168 : vector<16xi32> to vector<16xi32>
      tpu.vector_store %arg10[%swap3A_336], %swap3A_339 {strides = array<i32>} : memref<3136xi32, #tpu.memory_space<vmem>>, vector<16xi32>,
      %swap3A_340 = arith.constant 3120 : index
      %swap3A_341 = tpu.vector_load %arg10[%swap3A_340] {strides = array<i32>} : memref<3136xi32, #tpu.memory_space<vmem>>, vector<16xi32>,
      %swap3A_342 = vector.shape_cast %swap3A_341 : vector<16xi32> to vector<16xi32>
      %swap3A_343 = vector.shape_cast %broadcast_in_dim3A_168 : vector<16xi32> to vector<16xi32>
      tpu.vector_store %arg10[%swap3A_340], %swap3A_343 {strides = array<i32>} : memref<3136xi32, #tpu.memory_space<vmem>>, vector<16xi32>,
    } else {
    }
    %scan3A = arith.constant 0 : i32
    %scan3A_20 = arith.constant 0 : i32
    %scan3A_21 = arith.constant 18 : i32
    %scan3A_22 = arith.addi %scan3A_20, %scan3A_21 : i32
    %scan3A_23 = arith.constant 1 : i32
    scf.for %scan3A_130 = %scan3A_20 to %scan3A_22 step %scan3A_23  : i32 {
      %mul3A_131 = arith.constant 3 : i32
      %mul3A_132 = arith.muli %scan3A_130, %mul3A_131 : i32
      %add3A_133 = arith.constant 0 : i32
      %add3A_134 = arith.addi %mul3A_132, %add3A_133 : i32
      %sub3A_135 = arith.constant 3 : i32
      %sub3A_136 = arith.subi %add3A_134, %sub3A_135 : i32
      %ge3A_137 = arith.constant 0 : i32
      %ge3A_138 = arith.cmpi sge, %sub3A_136, %ge3A_137 : i32
      %lt3A = arith.cmpi slt, %sub3A_136, %select_n3A_8 : i32
      %and3A_139 = arith.andi %ge3A_138, %lt3A : i1
      %convert_element_type3A_140 = arith.extui %and3A_139 : i1 to i32
      %cond3A_141 = arith.constant 0 : i32
      %cond3A_142 = arith.cmpi ne, %convert_element_type3A_140, %cond3A_141 : i32
      scf.if %cond3A_142 {
        %mul3A_181 = arith.constant 64 : i32
        %mul3A_182 = arith.muli %sub3A_136, %mul3A_181 : i32
        %dma_wait3A = arith.constant 0 : i32
        %dma_wait3A_183 = arith.constant 0 : i32
        %dma_wait3A_184 = tpu.memref_slice %arg11[%dma_wait3A, %dma_wait3A_183] : memref<64x256xf32, #tpu.memory_space<vmem>> -> memref<64x128xf32, #tpu.memory_space<vmem>>
        %dma_wait3A_185 = tpu.memref_slice %arg7[%mul3A_182] : memref<3136xi32, #tpu.memory_space<vmem>> -> memref<64xi32, #tpu.memory_space<vmem>>
        %dma_wait3A_186 = arith.constant 0 : i32
        %dma_wait3A_187 = arith.constant 0 : i32
        %dma_wait3A_188 = tpu.memref_slice %arg2[%dma_wait3A_186, %dma_wait3A_187] : memref<100000x128xf32, #tpu.memory_space<hbm>> -> memref<100000x128xf32, #tpu.memory_space<hbm>>
        tpu.wait_indirect_dma semaphore(%arg17 : memref<!tpu.dma_semaphore, #tpu.memory_space<semaphore_mem>>) src(%dma_wait3A_188 : memref<100000x128xf32, #tpu.memory_space<hbm>>) dst(%dma_wait3A_184 : memref<64x128xf32, #tpu.memory_space<vmem>>)
        %mul3A_189 = arith.constant 64 : i32
        %mul3A_190 = arith.muli %sub3A_136, %mul3A_189 : i32
        %dma_wait3A_191 = arith.constant 0 : i32
        %dma_wait3A_192 = arith.constant 128 : i32
        %dma_wait3A_193 = tpu.memref_slice %arg11[%dma_wait3A_191, %dma_wait3A_192] : memref<64x256xf32, #tpu.memory_space<vmem>> -> memref<64x128xf32, #tpu.memory_space<vmem>>
        %dma_wait3A_194 = tpu.memref_slice %arg8[%mul3A_190] : memref<3136xi32, #tpu.memory_space<vmem>> -> memref<64xi32, #tpu.memory_space<vmem>>
        %dma_wait3A_195 = arith.constant 0 : i32
        %dma_wait3A_196 = arith.constant 0 : i32
        %dma_wait3A_197 = tpu.memref_slice %arg2[%dma_wait3A_195, %dma_wait3A_196] : memref<100000x128xf32, #tpu.memory_space<hbm>> -> memref<100000x128xf32, #tpu.memory_space<hbm>>
        tpu.wait_indirect_dma semaphore(%arg17 : memref<!tpu.dma_semaphore, #tpu.memory_space<semaphore_mem>>) src(%dma_wait3A_197 : memref<100000x128xf32, #tpu.memory_space<hbm>>) dst(%dma_wait3A_193 : memref<64x128xf32, #tpu.memory_space<vmem>>)
        %mul3A_198 = arith.constant 64 : i32
        %mul3A_199 = arith.muli %sub3A_136, %mul3A_198 : i32
        %dma_wait3A_200 = arith.constant 0 : i32
        %dma_wait3A_201 = arith.constant 0 : i32
        %dma_wait3A_202 = tpu.memref_slice %arg14[%dma_wait3A_200, %dma_wait3A_201] : memref<64x256xf32, #tpu.memory_space<vmem>> -> memref<64x128xf32, #tpu.memory_space<vmem>>
        %dma_wait3A_203 = tpu.memref_slice %arg9[%mul3A_199] : memref<3136xi32, #tpu.memory_space<vmem>> -> memref<64xi32, #tpu.memory_space<vmem>>
        %dma_wait3A_204 = arith.constant 0 : i32
        %dma_wait3A_205 = arith.constant 0 : i32
        %dma_wait3A_206 = tpu.memref_slice %arg2[%dma_wait3A_204, %dma_wait3A_205] : memref<100000x128xf32, #tpu.memory_space<hbm>> -> memref<100000x128xf32, #tpu.memory_space<hbm>>
        tpu.wait_indirect_dma semaphore(%arg20 : memref<!tpu.dma_semaphore, #tpu.memory_space<semaphore_mem>>) src(%dma_wait3A_206 : memref<100000x128xf32, #tpu.memory_space<hbm>>) dst(%dma_wait3A_202 : memref<64x128xf32, #tpu.memory_space<vmem>>)
        %mul3A_207 = arith.constant 64 : i32
        %mul3A_208 = arith.muli %sub3A_136, %mul3A_207 : i32
        %dma_wait3A_209 = arith.constant 0 : i32
        %dma_wait3A_210 = arith.constant 128 : i32
        %dma_wait3A_211 = tpu.memref_slice %arg14[%dma_wait3A_209, %dma_wait3A_210] : memref<64x256xf32, #tpu.memory_space<vmem>> -> memref<64x128xf32, #tpu.memory_space<vmem>>
        %dma_wait3A_212 = tpu.memref_slice %arg10[%mul3A_208] : memref<3136xi32, #tpu.memory_space<vmem>> -> memref<64xi32, #tpu.memory_space<vmem>>
        %dma_wait3A_213 = arith.constant 0 : i32
        %dma_wait3A_214 = arith.constant 0 : i32
        %dma_wait3A_215 = tpu.memref_slice %arg2[%dma_wait3A_213, %dma_wait3A_214] : memref<100000x128xf32, #tpu.memory_space<hbm>> -> memref<100000x128xf32, #tpu.memory_space<hbm>>
        tpu.wait_indirect_dma semaphore(%arg20 : memref<!tpu.dma_semaphore, #tpu.memory_space<semaphore_mem>>) src(%dma_wait3A_215 : memref<100000x128xf32, #tpu.memory_space<hbm>>) dst(%dma_wait3A_211 : memref<64x128xf32, #tpu.memory_space<vmem>>)
        %add3A_216 = arith.addi %select_n3A, %sub3A_136 : i32
        %lt3A_217 = arith.constant 1562 : i32
        %lt3A_218 = arith.cmpi slt, %add3A_216, %lt3A_217 : i32
        %convert_element_type3A_219 = arith.extui %lt3A_218 : i1 to i32
        %cond3A_220 = arith.constant 0 : i32
        %cond3A_221 = arith.cmpi ne, %convert_element_type3A_219, %cond3A_220 : i32
        scf.if %cond3A_221 {
          %mul3A_238 = arith.constant 64 : i32
          %mul3A_239 = arith.muli %add3A_216, %mul3A_238 : i32
          %dma_start3A = arith.constant 0 : i32
          %dma_start3A_240 = tpu.memref_slice %arg5[%mul3A_239, %dma_start3A] : memref<100000x256xf32, #tpu.memory_space<hbm>> -> memref<64x256xf32, #tpu.memory_space<hbm>>
          %dma_start3A_241 = arith.constant 0 : i32
          %dma_start3A_242 = tpu.memref_slice %arg5[%mul3A_239, %dma_start3A_241] : memref<100000x256xf32, #tpu.memory_space<hbm>> -> memref<64x256xf32, #tpu.memory_space<hbm>>
          tpu.enqueue_dma source(%arg11 : memref<64x256xf32, #tpu.memory_space<vmem>>) target(%dma_start3A_242 : memref<64x256xf32, #tpu.memory_space<hbm>>) target_semaphore(%arg23 : memref<!tpu.dma_semaphore, #tpu.memory_space<semaphore_mem>>)
        } else {
        }
        %eq3A_222 = arith.constant 1562 : i32
        %eq3A_223 = arith.cmpi eq, %add3A_216, %eq3A_222 : i32
        %convert_element_type3A_224 = arith.extui %eq3A_223 : i1 to i32
        %cond3A_225 = arith.constant 0 : i32
        %cond3A_226 = arith.cmpi ne, %convert_element_type3A_224, %cond3A_225 : i32
        scf.if %cond3A_226 {
          %dma_start3A = arith.constant 0 : i32
          %dma_start3A_238 = arith.constant 0 : i32
          %dma_start3A_239 = tpu.memref_slice %arg11[%dma_start3A, %dma_start3A_238] : memref<64x256xf32, #tpu.memory_space<vmem>> -> memref<32x256xf32, #tpu.memory_space<vmem>>
          %dma_start3A_240 = arith.constant 99968 : i32
          %dma_start3A_241 = arith.constant 0 : i32
          %dma_start3A_242 = tpu.memref_slice %arg5[%dma_start3A_240, %dma_start3A_241] : memref<100000x256xf32, #tpu.memory_space<hbm>> -> memref<32x256xf32, #tpu.memory_space<hbm>>
          %dma_start3A_243 = arith.constant 99968 : i32
          %dma_start3A_244 = arith.constant 0 : i32
          %dma_start3A_245 = tpu.memref_slice %arg5[%dma_start3A_243, %dma_start3A_244] : memref<100000x256xf32, #tpu.memory_space<hbm>> -> memref<32x256xf32, #tpu.memory_space<hbm>>
          %dma_start3A_246 = arith.constant 0 : i32
          %dma_start3A_247 = arith.constant 0 : i32
          %dma_start3A_248 = tpu.memref_slice %arg11[%dma_start3A_246, %dma_start3A_247] : memref<64x256xf32, #tpu.memory_space<vmem>> -> memref<32x256xf32, #tpu.memory_space<vmem>>
          tpu.enqueue_dma source(%dma_start3A_248 : memref<32x256xf32, #tpu.memory_space<vmem>>) target(%dma_start3A_245 : memref<32x256xf32, #tpu.memory_space<hbm>>) target_semaphore(%arg23 : memref<!tpu.dma_semaphore, #tpu.memory_space<semaphore_mem>>)
        } else {
        }
        %add3A_227 = arith.addi %select_n3A, %sub3A_136 : i32
        %lt3A_228 = arith.constant 1562 : i32
        %lt3A_229 = arith.cmpi slt, %add3A_227, %lt3A_228 : i32
        %convert_element_type3A_230 = arith.extui %lt3A_229 : i1 to i32
        %cond3A_231 = arith.constant 0 : i32
        %cond3A_232 = arith.cmpi ne, %convert_element_type3A_230, %cond3A_231 : i32
        scf.if %cond3A_232 {
          %mul3A_238 = arith.constant 64 : i32
          %mul3A_239 = arith.muli %add3A_227, %mul3A_238 : i32
          %dma_start3A = arith.constant 0 : i32
          %dma_start3A_240 = tpu.memref_slice %arg6[%mul3A_239, %dma_start3A] : memref<100000x256xf32, #tpu.memory_space<hbm>> -> memref<64x256xf32, #tpu.memory_space<hbm>>
          %dma_start3A_241 = arith.constant 0 : i32
          %dma_start3A_242 = tpu.memref_slice %arg6[%mul3A_239, %dma_start3A_241] : memref<100000x256xf32, #tpu.memory_space<hbm>> -> memref<64x256xf32, #tpu.memory_space<hbm>>
          tpu.enqueue_dma source(%arg14 : memref<64x256xf32, #tpu.memory_space<vmem>>) target(%dma_start3A_242 : memref<64x256xf32, #tpu.memory_space<hbm>>) target_semaphore(%arg26 : memref<!tpu.dma_semaphore, #tpu.memory_space<semaphore_mem>>)
        } else {
        }
        %eq3A_233 = arith.constant 1562 : i32
        %eq3A_234 = arith.cmpi eq, %add3A_227, %eq3A_233 : i32
        %convert_element_type3A_235 = arith.extui %eq3A_234 : i1 to i32
        %cond3A_236 = arith.constant 0 : i32
        %cond3A_237 = arith.cmpi ne, %convert_element_type3A_235, %cond3A_236 : i32
        scf.if %cond3A_237 {
          %dma_start3A = arith.constant 0 : i32
          %dma_start3A_238 = arith.constant 0 : i32
          %dma_start3A_239 = tpu.memref_slice %arg14[%dma_start3A, %dma_start3A_238] : memref<64x256xf32, #tpu.memory_space<vmem>> -> memref<32x256xf32, #tpu.memory_space<vmem>>
          %dma_start3A_240 = arith.constant 99968 : i32
          %dma_start3A_241 = arith.constant 0 : i32
          %dma_start3A_242 = tpu.memref_slice %arg6[%dma_start3A_240, %dma_start3A_241] : memref<100000x256xf32, #tpu.memory_space<hbm>> -> memref<32x256xf32, #tpu.memory_space<hbm>>
          %dma_start3A_243 = arith.constant 99968 : i32
          %dma_start3A_244 = arith.constant 0 : i32
          %dma_start3A_245 = tpu.memref_slice %arg6[%dma_start3A_243, %dma_start3A_244] : memref<100000x256xf32, #tpu.memory_space<hbm>> -> memref<32x256xf32, #tpu.memory_space<hbm>>
          %dma_start3A_246 = arith.constant 0 : i32
          %dma_start3A_247 = arith.constant 0 : i32
          %dma_start3A_248 = tpu.memref_slice %arg14[%dma_start3A_246, %dma_start3A_247] : memref<64x256xf32, #tpu.memory_space<vmem>> -> memref<32x256xf32, #tpu.memory_space<vmem>>
          tpu.enqueue_dma source(%dma_start3A_248 : memref<32x256xf32, #tpu.memory_space<vmem>>) target(%dma_start3A_245 : memref<32x256xf32, #tpu.memory_space<hbm>>) target_semaphore(%arg26 : memref<!tpu.dma_semaphore, #tpu.memory_space<semaphore_mem>>)
        } else {
        }
      } else {
      }
      %lt3A_143 = arith.cmpi slt, %add3A_134, %select_n3A_8 : i32
      %convert_element_type3A_144 = arith.extui %lt3A_143 : i1 to i32
      %cond3A_145 = arith.constant 0 : i32
      %cond3A_146 = arith.cmpi ne, %convert_element_type3A_144, %cond3A_145 : i32
      scf.if %cond3A_146 {
        %ge3A_181 = arith.constant 0 : i32
        %ge3A_182 = arith.cmpi sge, %sub3A_136, %ge3A_181 : i32
        %convert_element_type3A_183 = arith.extui %ge3A_182 : i1 to i32
        %cond3A_184 = arith.constant 0 : i32
        %cond3A_185 = arith.cmpi ne, %convert_element_type3A_183, %cond3A_184 : i32
        scf.if %cond3A_185 {
          %add3A_221 = arith.addi %select_n3A, %sub3A_136 : i32
          %lt3A_222 = arith.constant 1562 : i32
          %lt3A_223 = arith.cmpi slt, %add3A_221, %lt3A_222 : i32
          %convert_element_type3A_224 = arith.extui %lt3A_223 : i1 to i32
          %cond3A_225 = arith.constant 0 : i32
          %cond3A_226 = arith.cmpi ne, %convert_element_type3A_224, %cond3A_225 : i32
          scf.if %cond3A_226 {
            %mul3A_243 = arith.constant 64 : i32
            %mul3A_244 = arith.muli %add3A_221, %mul3A_243 : i32
            %dma_wait3A = arith.constant 0 : i32
            %dma_wait3A_245 = tpu.memref_slice %arg5[%mul3A_244, %dma_wait3A] : memref<100000x256xf32, #tpu.memory_space<hbm>> -> memref<64x256xf32, #tpu.memory_space<hbm>>
            %dma_wait3A_246 = arith.constant 0 : i32
            %dma_wait3A_247 = tpu.memref_slice %arg5[%mul3A_244, %dma_wait3A_246] : memref<100000x256xf32, #tpu.memory_space<hbm>> -> memref<64x256xf32, #tpu.memory_space<hbm>>
            tpu.wait_dma2 semaphore(%arg23 : memref<!tpu.dma_semaphore, #tpu.memory_space<semaphore_mem>>) src(%arg11 : memref<64x256xf32, #tpu.memory_space<vmem>>) dst(%dma_wait3A_247 : memref<64x256xf32, #tpu.memory_space<hbm>>)
          } else {
          }
          %eq3A_227 = arith.constant 1562 : i32
          %eq3A_228 = arith.cmpi eq, %add3A_221, %eq3A_227 : i32
          %convert_element_type3A_229 = arith.extui %eq3A_228 : i1 to i32
          %cond3A_230 = arith.constant 0 : i32
          %cond3A_231 = arith.cmpi ne, %convert_element_type3A_229, %cond3A_230 : i32
          scf.if %cond3A_231 {
            %dma_wait3A = arith.constant 0 : i32
            %dma_wait3A_243 = arith.constant 0 : i32
            %dma_wait3A_244 = tpu.memref_slice %arg11[%dma_wait3A, %dma_wait3A_243] : memref<64x256xf32, #tpu.memory_space<vmem>> -> memref<32x256xf32, #tpu.memory_space<vmem>>
            %dma_wait3A_245 = arith.constant 99968 : i32
            %dma_wait3A_246 = arith.constant 0 : i32
            %dma_wait3A_247 = tpu.memref_slice %arg5[%dma_wait3A_245, %dma_wait3A_246] : memref<100000x256xf32, #tpu.memory_space<hbm>> -> memref<32x256xf32, #tpu.memory_space<hbm>>
            %dma_wait3A_248 = arith.constant 99968 : i32
            %dma_wait3A_249 = arith.constant 0 : i32
            %dma_wait3A_250 = tpu.memref_slice %arg5[%dma_wait3A_248, %dma_wait3A_249] : memref<100000x256xf32, #tpu.memory_space<hbm>> -> memref<32x256xf32, #tpu.memory_space<hbm>>
            %dma_wait3A_251 = arith.constant 0 : i32
            %dma_wait3A_252 = arith.constant 0 : i32
            %dma_wait3A_253 = tpu.memref_slice %arg11[%dma_wait3A_251, %dma_wait3A_252] : memref<64x256xf32, #tpu.memory_space<vmem>> -> memref<32x256xf32, #tpu.memory_space<vmem>>
            tpu.wait_dma2 semaphore(%arg23 : memref<!tpu.dma_semaphore, #tpu.memory_space<semaphore_mem>>) src(%dma_wait3A_253 : memref<32x256xf32, #tpu.memory_space<vmem>>) dst(%dma_wait3A_250 : memref<32x256xf32, #tpu.memory_space<hbm>>)
          } else {
          }
          %add3A_232 = arith.addi %select_n3A, %sub3A_136 : i32
          %lt3A_233 = arith.constant 1562 : i32
          %lt3A_234 = arith.cmpi slt, %add3A_232, %lt3A_233 : i32
          %convert_element_type3A_235 = arith.extui %lt3A_234 : i1 to i32
          %cond3A_236 = arith.constant 0 : i32
          %cond3A_237 = arith.cmpi ne, %convert_element_type3A_235, %cond3A_236 : i32
          scf.if %cond3A_237 {
            %mul3A_243 = arith.constant 64 : i32
            %mul3A_244 = arith.muli %add3A_232, %mul3A_243 : i32
            %dma_wait3A = arith.constant 0 : i32
            %dma_wait3A_245 = tpu.memref_slice %arg6[%mul3A_244, %dma_wait3A] : memref<100000x256xf32, #tpu.memory_space<hbm>> -> memref<64x256xf32, #tpu.memory_space<hbm>>
            %dma_wait3A_246 = arith.constant 0 : i32
            %dma_wait3A_247 = tpu.memref_slice %arg6[%mul3A_244, %dma_wait3A_246] : memref<100000x256xf32, #tpu.memory_space<hbm>> -> memref<64x256xf32, #tpu.memory_space<hbm>>
            tpu.wait_dma2 semaphore(%arg26 : memref<!tpu.dma_semaphore, #tpu.memory_space<semaphore_mem>>) src(%arg14 : memref<64x256xf32, #tpu.memory_space<vmem>>) dst(%dma_wait3A_247 : memref<64x256xf32, #tpu.memory_space<hbm>>)
          } else {
          }
          %eq3A_238 = arith.constant 1562 : i32
          %eq3A_239 = arith.cmpi eq, %add3A_232, %eq3A_238 : i32
          %convert_element_type3A_240 = arith.extui %eq3A_239 : i1 to i32
          %cond3A_241 = arith.constant 0 : i32
          %cond3A_242 = arith.cmpi ne, %convert_element_type3A_240, %cond3A_241 : i32
          scf.if %cond3A_242 {
            %dma_wait3A = arith.constant 0 : i32
            %dma_wait3A_243 = arith.constant 0 : i32
            %dma_wait3A_244 = tpu.memref_slice %arg14[%dma_wait3A, %dma_wait3A_243] : memref<64x256xf32, #tpu.memory_space<vmem>> -> memref<32x256xf32, #tpu.memory_space<vmem>>
            %dma_wait3A_245 = arith.constant 99968 : i32
            %dma_wait3A_246 = arith.constant 0 : i32
            %dma_wait3A_247 = tpu.memref_slice %arg6[%dma_wait3A_245, %dma_wait3A_246] : memref<100000x256xf32, #tpu.memory_space<hbm>> -> memref<32x256xf32, #tpu.memory_space<hbm>>
            %dma_wait3A_248 = arith.constant 99968 : i32
            %dma_wait3A_249 = arith.constant 0 : i32
            %dma_wait3A_250 = tpu.memref_slice %arg6[%dma_wait3A_248, %dma_wait3A_249] : memref<100000x256xf32, #tpu.memory_space<hbm>> -> memref<32x256xf32, #tpu.memory_space<hbm>>
            %dma_wait3A_251 = arith.constant 0 : i32
            %dma_wait3A_252 = arith.constant 0 : i32
            %dma_wait3A_253 = tpu.memref_slice %arg14[%dma_wait3A_251, %dma_wait3A_252] : memref<64x256xf32, #tpu.memory_space<vmem>> -> memref<32x256xf32, #tpu.memory_space<vmem>>
            tpu.wait_dma2 semaphore(%arg26 : memref<!tpu.dma_semaphore, #tpu.memory_space<semaphore_mem>>) src(%dma_wait3A_253 : memref<32x256xf32, #tpu.memory_space<vmem>>) dst(%dma_wait3A_250 : memref<32x256xf32, #tpu.memory_space<hbm>>)
          } else {
          }
        } else {
        }
        %mul3A_186 = arith.constant 64 : i32
        %mul3A_187 = arith.muli %add3A_134, %mul3A_186 : i32
        %dma_start3A = arith.constant 0 : i32
        %dma_start3A_188 = arith.constant 0 : i32
        %dma_start3A_189 = tpu.memref_slice %arg11[%dma_start3A, %dma_start3A_188] : memref<64x256xf32, #tpu.memory_space<vmem>> -> memref<64x128xf32, #tpu.memory_space<vmem>>
        %dma_start3A_190 = tpu.memref_slice %arg7[%mul3A_187] : memref<3136xi32, #tpu.memory_space<vmem>> -> memref<64xi32, #tpu.memory_space<vmem>>
        %dma_start3A_191 = arith.constant 0 : i32
        %dma_start3A_192 = arith.constant 0 : i32
        %dma_start3A_193 = tpu.memref_slice %arg2[%dma_start3A_191, %dma_start3A_192] : memref<100000x128xf32, #tpu.memory_space<hbm>> -> memref<100000x128xf32, #tpu.memory_space<hbm>>
        tpu.enqueue_indirect_dma source(%dma_start3A_193 : memref<100000x128xf32, #tpu.memory_space<hbm>>) target(%dma_start3A_189 : memref<64x128xf32, #tpu.memory_space<vmem>>) offsets(%dma_start3A_190 : memref<64xi32, #tpu.memory_space<vmem>>) semaphore(%arg17 : memref<!tpu.dma_semaphore, #tpu.memory_space<semaphore_mem>>)
        %mul3A_194 = arith.constant 64 : i32
        %mul3A_195 = arith.muli %add3A_134, %mul3A_194 : i32
        %dma_start3A_196 = arith.constant 0 : i32
        %dma_start3A_197 = arith.constant 128 : i32
        %dma_start3A_198 = tpu.memref_slice %arg11[%dma_start3A_196, %dma_start3A_197] : memref<64x256xf32, #tpu.memory_space<vmem>> -> memref<64x128xf32, #tpu.memory_space<vmem>>
        %dma_start3A_199 = tpu.memref_slice %arg8[%mul3A_195] : memref<3136xi32, #tpu.memory_space<vmem>> -> memref<64xi32, #tpu.memory_space<vmem>>
        %dma_start3A_200 = arith.constant 0 : i32
        %dma_start3A_201 = arith.constant 0 : i32
        %dma_start3A_202 = tpu.memref_slice %arg2[%dma_start3A_200, %dma_start3A_201] : memref<100000x128xf32, #tpu.memory_space<hbm>> -> memref<100000x128xf32, #tpu.memory_space<hbm>>
        tpu.enqueue_indirect_dma source(%dma_start3A_202 : memref<100000x128xf32, #tpu.memory_space<hbm>>) target(%dma_start3A_198 : memref<64x128xf32, #tpu.memory_space<vmem>>) offsets(%dma_start3A_199 : memref<64xi32, #tpu.memory_space<vmem>>) semaphore(%arg17 : memref<!tpu.dma_semaphore, #tpu.memory_space<semaphore_mem>>)
        %mul3A_203 = arith.constant 64 : i32
        %mul3A_204 = arith.muli %add3A_134, %mul3A_203 : i32
        %dma_start3A_205 = arith.constant 0 : i32
        %dma_start3A_206 = arith.constant 0 : i32
        %dma_start3A_207 = tpu.memref_slice %arg14[%dma_start3A_205, %dma_start3A_206] : memref<64x256xf32, #tpu.memory_space<vmem>> -> memref<64x128xf32, #tpu.memory_space<vmem>>
        %dma_start3A_208 = tpu.memref_slice %arg9[%mul3A_204] : memref<3136xi32, #tpu.memory_space<vmem>> -> memref<64xi32, #tpu.memory_space<vmem>>
        %dma_start3A_209 = arith.constant 0 : i32
        %dma_start3A_210 = arith.constant 0 : i32
        %dma_start3A_211 = tpu.memref_slice %arg2[%dma_start3A_209, %dma_start3A_210] : memref<100000x128xf32, #tpu.memory_space<hbm>> -> memref<100000x128xf32, #tpu.memory_space<hbm>>
        tpu.enqueue_indirect_dma source(%dma_start3A_211 : memref<100000x128xf32, #tpu.memory_space<hbm>>) target(%dma_start3A_207 : memref<64x128xf32, #tpu.memory_space<vmem>>) offsets(%dma_start3A_208 : memref<64xi32, #tpu.memory_space<vmem>>) semaphore(%arg20 : memref<!tpu.dma_semaphore, #tpu.memory_space<semaphore_mem>>)
        %mul3A_212 = arith.constant 64 : i32
        %mul3A_213 = arith.muli %add3A_134, %mul3A_212 : i32
        %dma_start3A_214 = arith.constant 0 : i32
        %dma_start3A_215 = arith.constant 128 : i32
        %dma_start3A_216 = tpu.memref_slice %arg14[%dma_start3A_214, %dma_start3A_215] : memref<64x256xf32, #tpu.memory_space<vmem>> -> memref<64x128xf32, #tpu.memory_space<vmem>>
        %dma_start3A_217 = tpu.memref_slice %arg10[%mul3A_213] : memref<3136xi32, #tpu.memory_space<vmem>> -> memref<64xi32, #tpu.memory_space<vmem>>
        %dma_start3A_218 = arith.constant 0 : i32
        %dma_start3A_219 = arith.constant 0 : i32
        %dma_start3A_220 = tpu.memref_slice %arg2[%dma_start3A_218, %dma_start3A_219] : memref<100000x128xf32, #tpu.memory_space<hbm>> -> memref<100000x128xf32, #tpu.memory_space<hbm>>
        tpu.enqueue_indirect_dma source(%dma_start3A_220 : memref<100000x128xf32, #tpu.memory_space<hbm>>) target(%dma_start3A_216 : memref<64x128xf32, #tpu.memory_space<vmem>>) offsets(%dma_start3A_217 : memref<64xi32, #tpu.memory_space<vmem>>) semaphore(%arg20 : memref<!tpu.dma_semaphore, #tpu.memory_space<semaphore_mem>>)
      } else {
      }
      %mul3A_147 = arith.constant 3 : i32
      %mul3A_148 = arith.muli %scan3A_130, %mul3A_147 : i32
      %add3A_149 = arith.constant 1 : i32
      %add3A_150 = arith.addi %mul3A_148, %add3A_149 : i32
      %sub3A_151 = arith.constant 3 : i32
      %sub3A_152 = arith.subi %add3A_150, %sub3A_151 : i32
      %ge3A_153 = arith.constant 0 : i32
      %ge3A_154 = arith.cmpi sge, %sub3A_152, %ge3A_153 : i32
      %lt3A_155 = arith.cmpi slt, %sub3A_152, %select_n3A_8 : i32
      %and3A_156 = arith.andi %ge3A_154, %lt3A_155 : i1
      %convert_element_type3A_157 = arith.extui %and3A_156 : i1 to i32
      %cond3A_158 = arith.constant 0 : i32
      %cond3A_159 = arith.cmpi ne, %convert_element_type3A_157, %cond3A_158 : i32
      scf.if %cond3A_159 {
        %mul3A_181 = arith.constant 64 : i32
        %mul3A_182 = arith.muli %sub3A_152, %mul3A_181 : i32
        %dma_wait3A = arith.constant 0 : i32
        %dma_wait3A_183 = arith.constant 0 : i32
        %dma_wait3A_184 = tpu.memref_slice %arg12[%dma_wait3A, %dma_wait3A_183] : memref<64x256xf32, #tpu.memory_space<vmem>> -> memref<64x128xf32, #tpu.memory_space<vmem>>
        %dma_wait3A_185 = tpu.memref_slice %arg7[%mul3A_182] : memref<3136xi32, #tpu.memory_space<vmem>> -> memref<64xi32, #tpu.memory_space<vmem>>
        %dma_wait3A_186 = arith.constant 0 : i32
        %dma_wait3A_187 = arith.constant 0 : i32
        %dma_wait3A_188 = tpu.memref_slice %arg2[%dma_wait3A_186, %dma_wait3A_187] : memref<100000x128xf32, #tpu.memory_space<hbm>> -> memref<100000x128xf32, #tpu.memory_space<hbm>>
        tpu.wait_indirect_dma semaphore(%arg18 : memref<!tpu.dma_semaphore, #tpu.memory_space<semaphore_mem>>) src(%dma_wait3A_188 : memref<100000x128xf32, #tpu.memory_space<hbm>>) dst(%dma_wait3A_184 : memref<64x128xf32, #tpu.memory_space<vmem>>)
        %mul3A_189 = arith.constant 64 : i32
        %mul3A_190 = arith.muli %sub3A_152, %mul3A_189 : i32
        %dma_wait3A_191 = arith.constant 0 : i32
        %dma_wait3A_192 = arith.constant 128 : i32
        %dma_wait3A_193 = tpu.memref_slice %arg12[%dma_wait3A_191, %dma_wait3A_192] : memref<64x256xf32, #tpu.memory_space<vmem>> -> memref<64x128xf32, #tpu.memory_space<vmem>>
        %dma_wait3A_194 = tpu.memref_slice %arg8[%mul3A_190] : memref<3136xi32, #tpu.memory_space<vmem>> -> memref<64xi32, #tpu.memory_space<vmem>>
        %dma_wait3A_195 = arith.constant 0 : i32
        %dma_wait3A_196 = arith.constant 0 : i32
        %dma_wait3A_197 = tpu.memref_slice %arg2[%dma_wait3A_195, %dma_wait3A_196] : memref<100000x128xf32, #tpu.memory_space<hbm>> -> memref<100000x128xf32, #tpu.memory_space<hbm>>
        tpu.wait_indirect_dma semaphore(%arg18 : memref<!tpu.dma_semaphore, #tpu.memory_space<semaphore_mem>>) src(%dma_wait3A_197 : memref<100000x128xf32, #tpu.memory_space<hbm>>) dst(%dma_wait3A_193 : memref<64x128xf32, #tpu.memory_space<vmem>>)
        %mul3A_198 = arith.constant 64 : i32
        %mul3A_199 = arith.muli %sub3A_152, %mul3A_198 : i32
        %dma_wait3A_200 = arith.constant 0 : i32
        %dma_wait3A_201 = arith.constant 0 : i32
        %dma_wait3A_202 = tpu.memref_slice %arg15[%dma_wait3A_200, %dma_wait3A_201] : memref<64x256xf32, #tpu.memory_space<vmem>> -> memref<64x128xf32, #tpu.memory_space<vmem>>
        %dma_wait3A_203 = tpu.memref_slice %arg9[%mul3A_199] : memref<3136xi32, #tpu.memory_space<vmem>> -> memref<64xi32, #tpu.memory_space<vmem>>
        %dma_wait3A_204 = arith.constant 0 : i32
        %dma_wait3A_205 = arith.constant 0 : i32
        %dma_wait3A_206 = tpu.memref_slice %arg2[%dma_wait3A_204, %dma_wait3A_205] : memref<100000x128xf32, #tpu.memory_space<hbm>> -> memref<100000x128xf32, #tpu.memory_space<hbm>>
        tpu.wait_indirect_dma semaphore(%arg21 : memref<!tpu.dma_semaphore, #tpu.memory_space<semaphore_mem>>) src(%dma_wait3A_206 : memref<100000x128xf32, #tpu.memory_space<hbm>>) dst(%dma_wait3A_202 : memref<64x128xf32, #tpu.memory_space<vmem>>)
        %mul3A_207 = arith.constant 64 : i32
        %mul3A_208 = arith.muli %sub3A_152, %mul3A_207 : i32
        %dma_wait3A_209 = arith.constant 0 : i32
        %dma_wait3A_210 = arith.constant 128 : i32
        %dma_wait3A_211 = tpu.memref_slice %arg15[%dma_wait3A_209, %dma_wait3A_210] : memref<64x256xf32, #tpu.memory_space<vmem>> -> memref<64x128xf32, #tpu.memory_space<vmem>>
        %dma_wait3A_212 = tpu.memref_slice %arg10[%mul3A_208] : memref<3136xi32, #tpu.memory_space<vmem>> -> memref<64xi32, #tpu.memory_space<vmem>>
        %dma_wait3A_213 = arith.constant 0 : i32
        %dma_wait3A_214 = arith.constant 0 : i32
        %dma_wait3A_215 = tpu.memref_slice %arg2[%dma_wait3A_213, %dma_wait3A_214] : memref<100000x128xf32, #tpu.memory_space<hbm>> -> memref<100000x128xf32, #tpu.memory_space<hbm>>
        tpu.wait_indirect_dma semaphore(%arg21 : memref<!tpu.dma_semaphore, #tpu.memory_space<semaphore_mem>>) src(%dma_wait3A_215 : memref<100000x128xf32, #tpu.memory_space<hbm>>) dst(%dma_wait3A_211 : memref<64x128xf32, #tpu.memory_space<vmem>>)
        %add3A_216 = arith.addi %select_n3A, %sub3A_152 : i32
        %lt3A_217 = arith.constant 1562 : i32
        %lt3A_218 = arith.cmpi slt, %add3A_216, %lt3A_217 : i32
        %convert_element_type3A_219 = arith.extui %lt3A_218 : i1 to i32
        %cond3A_220 = arith.constant 0 : i32
        %cond3A_221 = arith.cmpi ne, %convert_element_type3A_219, %cond3A_220 : i32
        scf.if %cond3A_221 {
          %mul3A_238 = arith.constant 64 : i32
          %mul3A_239 = arith.muli %add3A_216, %mul3A_238 : i32
          %dma_start3A = arith.constant 0 : i32
          %dma_start3A_240 = tpu.memref_slice %arg5[%mul3A_239, %dma_start3A] : memref<100000x256xf32, #tpu.memory_space<hbm>> -> memref<64x256xf32, #tpu.memory_space<hbm>>
          %dma_start3A_241 = arith.constant 0 : i32
          %dma_start3A_242 = tpu.memref_slice %arg5[%mul3A_239, %dma_start3A_241] : memref<100000x256xf32, #tpu.memory_space<hbm>> -> memref<64x256xf32, #tpu.memory_space<hbm>>
          tpu.enqueue_dma source(%arg12 : memref<64x256xf32, #tpu.memory_space<vmem>>) target(%dma_start3A_242 : memref<64x256xf32, #tpu.memory_space<hbm>>) target_semaphore(%arg24 : memref<!tpu.dma_semaphore, #tpu.memory_space<semaphore_mem>>)
        } else {
        }
        %eq3A_222 = arith.constant 1562 : i32
        %eq3A_223 = arith.cmpi eq, %add3A_216, %eq3A_222 : i32
        %convert_element_type3A_224 = arith.extui %eq3A_223 : i1 to i32
        %cond3A_225 = arith.constant 0 : i32
        %cond3A_226 = arith.cmpi ne, %convert_element_type3A_224, %cond3A_225 : i32
        scf.if %cond3A_226 {
          %dma_start3A = arith.constant 0 : i32
          %dma_start3A_238 = arith.constant 0 : i32
          %dma_start3A_239 = tpu.memref_slice %arg12[%dma_start3A, %dma_start3A_238] : memref<64x256xf32, #tpu.memory_space<vmem>> -> memref<32x256xf32, #tpu.memory_space<vmem>>
          %dma_start3A_240 = arith.constant 99968 : i32
          %dma_start3A_241 = arith.constant 0 : i32
          %dma_start3A_242 = tpu.memref_slice %arg5[%dma_start3A_240, %dma_start3A_241] : memref<100000x256xf32, #tpu.memory_space<hbm>> -> memref<32x256xf32, #tpu.memory_space<hbm>>
          %dma_start3A_243 = arith.constant 99968 : i32
          %dma_start3A_244 = arith.constant 0 : i32
          %dma_start3A_245 = tpu.memref_slice %arg5[%dma_start3A_243, %dma_start3A_244] : memref<100000x256xf32, #tpu.memory_space<hbm>> -> memref<32x256xf32, #tpu.memory_space<hbm>>
          %dma_start3A_246 = arith.constant 0 : i32
          %dma_start3A_247 = arith.constant 0 : i32
          %dma_start3A_248 = tpu.memref_slice %arg12[%dma_start3A_246, %dma_start3A_247] : memref<64x256xf32, #tpu.memory_space<vmem>> -> memref<32x256xf32, #tpu.memory_space<vmem>>
          tpu.enqueue_dma source(%dma_start3A_248 : memref<32x256xf32, #tpu.memory_space<vmem>>) target(%dma_start3A_245 : memref<32x256xf32, #tpu.memory_space<hbm>>) target_semaphore(%arg24 : memref<!tpu.dma_semaphore, #tpu.memory_space<semaphore_mem>>)
        } else {
        }
        %add3A_227 = arith.addi %select_n3A, %sub3A_152 : i32
        %lt3A_228 = arith.constant 1562 : i32
        %lt3A_229 = arith.cmpi slt, %add3A_227, %lt3A_228 : i32
        %convert_element_type3A_230 = arith.extui %lt3A_229 : i1 to i32
        %cond3A_231 = arith.constant 0 : i32
        %cond3A_232 = arith.cmpi ne, %convert_element_type3A_230, %cond3A_231 : i32
        scf.if %cond3A_232 {
          %mul3A_238 = arith.constant 64 : i32
          %mul3A_239 = arith.muli %add3A_227, %mul3A_238 : i32
          %dma_start3A = arith.constant 0 : i32
          %dma_start3A_240 = tpu.memref_slice %arg6[%mul3A_239, %dma_start3A] : memref<100000x256xf32, #tpu.memory_space<hbm>> -> memref<64x256xf32, #tpu.memory_space<hbm>>
          %dma_start3A_241 = arith.constant 0 : i32
          %dma_start3A_242 = tpu.memref_slice %arg6[%mul3A_239, %dma_start3A_241] : memref<100000x256xf32, #tpu.memory_space<hbm>> -> memref<64x256xf32, #tpu.memory_space<hbm>>
          tpu.enqueue_dma source(%arg15 : memref<64x256xf32, #tpu.memory_space<vmem>>) target(%dma_start3A_242 : memref<64x256xf32, #tpu.memory_space<hbm>>) target_semaphore(%arg27 : memref<!tpu.dma_semaphore, #tpu.memory_space<semaphore_mem>>)
        } else {
        }
        %eq3A_233 = arith.constant 1562 : i32
        %eq3A_234 = arith.cmpi eq, %add3A_227, %eq3A_233 : i32
        %convert_element_type3A_235 = arith.extui %eq3A_234 : i1 to i32
        %cond3A_236 = arith.constant 0 : i32
        %cond3A_237 = arith.cmpi ne, %convert_element_type3A_235, %cond3A_236 : i32
        scf.if %cond3A_237 {
          %dma_start3A = arith.constant 0 : i32
          %dma_start3A_238 = arith.constant 0 : i32
          %dma_start3A_239 = tpu.memref_slice %arg15[%dma_start3A, %dma_start3A_238] : memref<64x256xf32, #tpu.memory_space<vmem>> -> memref<32x256xf32, #tpu.memory_space<vmem>>
          %dma_start3A_240 = arith.constant 99968 : i32
          %dma_start3A_241 = arith.constant 0 : i32
          %dma_start3A_242 = tpu.memref_slice %arg6[%dma_start3A_240, %dma_start3A_241] : memref<100000x256xf32, #tpu.memory_space<hbm>> -> memref<32x256xf32, #tpu.memory_space<hbm>>
          %dma_start3A_243 = arith.constant 99968 : i32
          %dma_start3A_244 = arith.constant 0 : i32
          %dma_start3A_245 = tpu.memref_slice %arg6[%dma_start3A_243, %dma_start3A_244] : memref<100000x256xf32, #tpu.memory_space<hbm>> -> memref<32x256xf32, #tpu.memory_space<hbm>>
          %dma_start3A_246 = arith.constant 0 : i32
          %dma_start3A_247 = arith.constant 0 : i32
          %dma_start3A_248 = tpu.memref_slice %arg15[%dma_start3A_246, %dma_start3A_247] : memref<64x256xf32, #tpu.memory_space<vmem>> -> memref<32x256xf32, #tpu.memory_space<vmem>>
          tpu.enqueue_dma source(%dma_start3A_248 : memref<32x256xf32, #tpu.memory_space<vmem>>) target(%dma_start3A_245 : memref<32x256xf32, #tpu.memory_space<hbm>>) target_semaphore(%arg27 : memref<!tpu.dma_semaphore, #tpu.memory_space<semaphore_mem>>)
        } else {
        }
      } else {
      }
      %lt3A_160 = arith.cmpi slt, %add3A_150, %select_n3A_8 : i32
      %convert_element_type3A_161 = arith.extui %lt3A_160 : i1 to i32
      %cond3A_162 = arith.constant 0 : i32
      %cond3A_163 = arith.cmpi ne, %convert_element_type3A_161, %cond3A_162 : i32
      scf.if %cond3A_163 {
        %ge3A_181 = arith.constant 0 : i32
        %ge3A_182 = arith.cmpi sge, %sub3A_152, %ge3A_181 : i32
        %convert_element_type3A_183 = arith.extui %ge3A_182 : i1 to i32
        %cond3A_184 = arith.constant 0 : i32
        %cond3A_185 = arith.cmpi ne, %convert_element_type3A_183, %cond3A_184 : i32
        scf.if %cond3A_185 {
          %add3A_221 = arith.addi %select_n3A, %sub3A_152 : i32
          %lt3A_222 = arith.constant 1562 : i32
          %lt3A_223 = arith.cmpi slt, %add3A_221, %lt3A_222 : i32
          %convert_element_type3A_224 = arith.extui %lt3A_223 : i1 to i32
          %cond3A_225 = arith.constant 0 : i32
          %cond3A_226 = arith.cmpi ne, %convert_element_type3A_224, %cond3A_225 : i32
          scf.if %cond3A_226 {
            %mul3A_243 = arith.constant 64 : i32
            %mul3A_244 = arith.muli %add3A_221, %mul3A_243 : i32
            %dma_wait3A = arith.constant 0 : i32
            %dma_wait3A_245 = tpu.memref_slice %arg5[%mul3A_244, %dma_wait3A] : memref<100000x256xf32, #tpu.memory_space<hbm>> -> memref<64x256xf32, #tpu.memory_space<hbm>>
            %dma_wait3A_246 = arith.constant 0 : i32
            %dma_wait3A_247 = tpu.memref_slice %arg5[%mul3A_244, %dma_wait3A_246] : memref<100000x256xf32, #tpu.memory_space<hbm>> -> memref<64x256xf32, #tpu.memory_space<hbm>>
            tpu.wait_dma2 semaphore(%arg24 : memref<!tpu.dma_semaphore, #tpu.memory_space<semaphore_mem>>) src(%arg12 : memref<64x256xf32, #tpu.memory_space<vmem>>) dst(%dma_wait3A_247 : memref<64x256xf32, #tpu.memory_space<hbm>>)
          } else {
          }
          %eq3A_227 = arith.constant 1562 : i32
          %eq3A_228 = arith.cmpi eq, %add3A_221, %eq3A_227 : i32
          %convert_element_type3A_229 = arith.extui %eq3A_228 : i1 to i32
          %cond3A_230 = arith.constant 0 : i32
          %cond3A_231 = arith.cmpi ne, %convert_element_type3A_229, %cond3A_230 : i32
          scf.if %cond3A_231 {
            %dma_wait3A = arith.constant 0 : i32
            %dma_wait3A_243 = arith.constant 0 : i32
            %dma_wait3A_244 = tpu.memref_slice %arg12[%dma_wait3A, %dma_wait3A_243] : memref<64x256xf32, #tpu.memory_space<vmem>> -> memref<32x256xf32, #tpu.memory_space<vmem>>
            %dma_wait3A_245 = arith.constant 99968 : i32
            %dma_wait3A_246 = arith.constant 0 : i32
            %dma_wait3A_247 = tpu.memref_slice %arg5[%dma_wait3A_245, %dma_wait3A_246] : memref<100000x256xf32, #tpu.memory_space<hbm>> -> memref<32x256xf32, #tpu.memory_space<hbm>>
            %dma_wait3A_248 = arith.constant 99968 : i32
            %dma_wait3A_249 = arith.constant 0 : i32
            %dma_wait3A_250 = tpu.memref_slice %arg5[%dma_wait3A_248, %dma_wait3A_249] : memref<100000x256xf32, #tpu.memory_space<hbm>> -> memref<32x256xf32, #tpu.memory_space<hbm>>
            %dma_wait3A_251 = arith.constant 0 : i32
            %dma_wait3A_252 = arith.constant 0 : i32
            %dma_wait3A_253 = tpu.memref_slice %arg12[%dma_wait3A_251, %dma_wait3A_252] : memref<64x256xf32, #tpu.memory_space<vmem>> -> memref<32x256xf32, #tpu.memory_space<vmem>>
            tpu.wait_dma2 semaphore(%arg24 : memref<!tpu.dma_semaphore, #tpu.memory_space<semaphore_mem>>) src(%dma_wait3A_253 : memref<32x256xf32, #tpu.memory_space<vmem>>) dst(%dma_wait3A_250 : memref<32x256xf32, #tpu.memory_space<hbm>>)
          } else {
          }
          %add3A_232 = arith.addi %select_n3A, %sub3A_152 : i32
          %lt3A_233 = arith.constant 1562 : i32
          %lt3A_234 = arith.cmpi slt, %add3A_232, %lt3A_233 : i32
          %convert_element_type3A_235 = arith.extui %lt3A_234 : i1 to i32
          %cond3A_236 = arith.constant 0 : i32
          %cond3A_237 = arith.cmpi ne, %convert_element_type3A_235, %cond3A_236 : i32
          scf.if %cond3A_237 {
            %mul3A_243 = arith.constant 64 : i32
            %mul3A_244 = arith.muli %add3A_232, %mul3A_243 : i32
            %dma_wait3A = arith.constant 0 : i32
            %dma_wait3A_245 = tpu.memref_slice %arg6[%mul3A_244, %dma_wait3A] : memref<100000x256xf32, #tpu.memory_space<hbm>> -> memref<64x256xf32, #tpu.memory_space<hbm>>
            %dma_wait3A_246 = arith.constant 0 : i32
            %dma_wait3A_247 = tpu.memref_slice %arg6[%mul3A_244, %dma_wait3A_246] : memref<100000x256xf32, #tpu.memory_space<hbm>> -> memref<64x256xf32, #tpu.memory_space<hbm>>
            tpu.wait_dma2 semaphore(%arg27 : memref<!tpu.dma_semaphore, #tpu.memory_space<semaphore_mem>>) src(%arg15 : memref<64x256xf32, #tpu.memory_space<vmem>>) dst(%dma_wait3A_247 : memref<64x256xf32, #tpu.memory_space<hbm>>)
          } else {
          }
          %eq3A_238 = arith.constant 1562 : i32
          %eq3A_239 = arith.cmpi eq, %add3A_232, %eq3A_238 : i32
          %convert_element_type3A_240 = arith.extui %eq3A_239 : i1 to i32
          %cond3A_241 = arith.constant 0 : i32
          %cond3A_242 = arith.cmpi ne, %convert_element_type3A_240, %cond3A_241 : i32
          scf.if %cond3A_242 {
            %dma_wait3A = arith.constant 0 : i32
            %dma_wait3A_243 = arith.constant 0 : i32
            %dma_wait3A_244 = tpu.memref_slice %arg15[%dma_wait3A, %dma_wait3A_243] : memref<64x256xf32, #tpu.memory_space<vmem>> -> memref<32x256xf32, #tpu.memory_space<vmem>>
            %dma_wait3A_245 = arith.constant 99968 : i32
            %dma_wait3A_246 = arith.constant 0 : i32
            %dma_wait3A_247 = tpu.memref_slice %arg6[%dma_wait3A_245, %dma_wait3A_246] : memref<100000x256xf32, #tpu.memory_space<hbm>> -> memref<32x256xf32, #tpu.memory_space<hbm>>
            %dma_wait3A_248 = arith.constant 99968 : i32
            %dma_wait3A_249 = arith.constant 0 : i32
            %dma_wait3A_250 = tpu.memref_slice %arg6[%dma_wait3A_248, %dma_wait3A_249] : memref<100000x256xf32, #tpu.memory_space<hbm>> -> memref<32x256xf32, #tpu.memory_space<hbm>>
            %dma_wait3A_251 = arith.constant 0 : i32
            %dma_wait3A_252 = arith.constant 0 : i32
            %dma_wait3A_253 = tpu.memref_slice %arg15[%dma_wait3A_251, %dma_wait3A_252] : memref<64x256xf32, #tpu.memory_space<vmem>> -> memref<32x256xf32, #tpu.memory_space<vmem>>
            tpu.wait_dma2 semaphore(%arg27 : memref<!tpu.dma_semaphore, #tpu.memory_space<semaphore_mem>>) src(%dma_wait3A_253 : memref<32x256xf32, #tpu.memory_space<vmem>>) dst(%dma_wait3A_250 : memref<32x256xf32, #tpu.memory_space<hbm>>)
          } else {
          }
        } else {
        }
        %mul3A_186 = arith.constant 64 : i32
        %mul3A_187 = arith.muli %add3A_150, %mul3A_186 : i32
        %dma_start3A = arith.constant 0 : i32
        %dma_start3A_188 = arith.constant 0 : i32
        %dma_start3A_189 = tpu.memref_slice %arg12[%dma_start3A, %dma_start3A_188] : memref<64x256xf32, #tpu.memory_space<vmem>> -> memref<64x128xf32, #tpu.memory_space<vmem>>
        %dma_start3A_190 = tpu.memref_slice %arg7[%mul3A_187] : memref<3136xi32, #tpu.memory_space<vmem>> -> memref<64xi32, #tpu.memory_space<vmem>>
        %dma_start3A_191 = arith.constant 0 : i32
        %dma_start3A_192 = arith.constant 0 : i32
        %dma_start3A_193 = tpu.memref_slice %arg2[%dma_start3A_191, %dma_start3A_192] : memref<100000x128xf32, #tpu.memory_space<hbm>> -> memref<100000x128xf32, #tpu.memory_space<hbm>>
        tpu.enqueue_indirect_dma source(%dma_start3A_193 : memref<100000x128xf32, #tpu.memory_space<hbm>>) target(%dma_start3A_189 : memref<64x128xf32, #tpu.memory_space<vmem>>) offsets(%dma_start3A_190 : memref<64xi32, #tpu.memory_space<vmem>>) semaphore(%arg18 : memref<!tpu.dma_semaphore, #tpu.memory_space<semaphore_mem>>)
        %mul3A_194 = arith.constant 64 : i32
        %mul3A_195 = arith.muli %add3A_150, %mul3A_194 : i32
        %dma_start3A_196 = arith.constant 0 : i32
        %dma_start3A_197 = arith.constant 128 : i32
        %dma_start3A_198 = tpu.memref_slice %arg12[%dma_start3A_196, %dma_start3A_197] : memref<64x256xf32, #tpu.memory_space<vmem>> -> memref<64x128xf32, #tpu.memory_space<vmem>>
        %dma_start3A_199 = tpu.memref_slice %arg8[%mul3A_195] : memref<3136xi32, #tpu.memory_space<vmem>> -> memref<64xi32, #tpu.memory_space<vmem>>
        %dma_start3A_200 = arith.constant 0 : i32
        %dma_start3A_201 = arith.constant 0 : i32
        %dma_start3A_202 = tpu.memref_slice %arg2[%dma_start3A_200, %dma_start3A_201] : memref<100000x128xf32, #tpu.memory_space<hbm>> -> memref<100000x128xf32, #tpu.memory_space<hbm>>
        tpu.enqueue_indirect_dma source(%dma_start3A_202 : memref<100000x128xf32, #tpu.memory_space<hbm>>) target(%dma_start3A_198 : memref<64x128xf32, #tpu.memory_space<vmem>>) offsets(%dma_start3A_199 : memref<64xi32, #tpu.memory_space<vmem>>) semaphore(%arg18 : memref<!tpu.dma_semaphore, #tpu.memory_space<semaphore_mem>>)
        %mul3A_203 = arith.constant 64 : i32
        %mul3A_204 = arith.muli %add3A_150, %mul3A_203 : i32
        %dma_start3A_205 = arith.constant 0 : i32
        %dma_start3A_206 = arith.constant 0 : i32
        %dma_start3A_207 = tpu.memref_slice %arg15[%dma_start3A_205, %dma_start3A_206] : memref<64x256xf32, #tpu.memory_space<vmem>> -> memref<64x128xf32, #tpu.memory_space<vmem>>
        %dma_start3A_208 = tpu.memref_slice %arg9[%mul3A_204] : memref<3136xi32, #tpu.memory_space<vmem>> -> memref<64xi32, #tpu.memory_space<vmem>>
        %dma_start3A_209 = arith.constant 0 : i32
        %dma_start3A_210 = arith.constant 0 : i32
        %dma_start3A_211 = tpu.memref_slice %arg2[%dma_start3A_209, %dma_start3A_210] : memref<100000x128xf32, #tpu.memory_space<hbm>> -> memref<100000x128xf32, #tpu.memory_space<hbm>>
        tpu.enqueue_indirect_dma source(%dma_start3A_211 : memref<100000x128xf32, #tpu.memory_space<hbm>>) target(%dma_start3A_207 : memref<64x128xf32, #tpu.memory_space<vmem>>) offsets(%dma_start3A_208 : memref<64xi32, #tpu.memory_space<vmem>>) semaphore(%arg21 : memref<!tpu.dma_semaphore, #tpu.memory_space<semaphore_mem>>)
        %mul3A_212 = arith.constant 64 : i32
        %mul3A_213 = arith.muli %add3A_150, %mul3A_212 : i32
        %dma_start3A_214 = arith.constant 0 : i32
        %dma_start3A_215 = arith.constant 128 : i32
        %dma_start3A_216 = tpu.memref_slice %arg15[%dma_start3A_214, %dma_start3A_215] : memref<64x256xf32, #tpu.memory_space<vmem>> -> memref<64x128xf32, #tpu.memory_space<vmem>>
        %dma_start3A_217 = tpu.memref_slice %arg10[%mul3A_213] : memref<3136xi32, #tpu.memory_space<vmem>> -> memref<64xi32, #tpu.memory_space<vmem>>
        %dma_start3A_218 = arith.constant 0 : i32
        %dma_start3A_219 = arith.constant 0 : i32
        %dma_start3A_220 = tpu.memref_slice %arg2[%dma_start3A_218, %dma_start3A_219] : memref<100000x128xf32, #tpu.memory_space<hbm>> -> memref<100000x128xf32, #tpu.memory_space<hbm>>
        tpu.enqueue_indirect_dma source(%dma_start3A_220 : memref<100000x128xf32, #tpu.memory_space<hbm>>) target(%dma_start3A_216 : memref<64x128xf32, #tpu.memory_space<vmem>>) offsets(%dma_start3A_217 : memref<64xi32, #tpu.memory_space<vmem>>) semaphore(%arg21 : memref<!tpu.dma_semaphore, #tpu.memory_space<semaphore_mem>>)
      } else {
      }
      %mul3A_164 = arith.constant 3 : i32
      %mul3A_165 = arith.muli %scan3A_130, %mul3A_164 : i32
      %add3A_166 = arith.constant 2 : i32
      %add3A_167 = arith.addi %mul3A_165, %add3A_166 : i32
      %sub3A_168 = arith.constant 3 : i32
      %sub3A_169 = arith.subi %add3A_167, %sub3A_168 : i32
      %ge3A_170 = arith.constant 0 : i32
      %ge3A_171 = arith.cmpi sge, %sub3A_169, %ge3A_170 : i32
      %lt3A_172 = arith.cmpi slt, %sub3A_169, %select_n3A_8 : i32
      %and3A_173 = arith.andi %ge3A_171, %lt3A_172 : i1
      %convert_element_type3A_174 = arith.extui %and3A_173 : i1 to i32
      %cond3A_175 = arith.constant 0 : i32
      %cond3A_176 = arith.cmpi ne, %convert_element_type3A_174, %cond3A_175 : i32
      scf.if %cond3A_176 {
        %mul3A_181 = arith.constant 64 : i32
        %mul3A_182 = arith.muli %sub3A_169, %mul3A_181 : i32
        %dma_wait3A = arith.constant 0 : i32
        %dma_wait3A_183 = arith.constant 0 : i32
        %dma_wait3A_184 = tpu.memref_slice %arg13[%dma_wait3A, %dma_wait3A_183] : memref<64x256xf32, #tpu.memory_space<vmem>> -> memref<64x128xf32, #tpu.memory_space<vmem>>
        %dma_wait3A_185 = tpu.memref_slice %arg7[%mul3A_182] : memref<3136xi32, #tpu.memory_space<vmem>> -> memref<64xi32, #tpu.memory_space<vmem>>
        %dma_wait3A_186 = arith.constant 0 : i32
        %dma_wait3A_187 = arith.constant 0 : i32
        %dma_wait3A_188 = tpu.memref_slice %arg2[%dma_wait3A_186, %dma_wait3A_187] : memref<100000x128xf32, #tpu.memory_space<hbm>> -> memref<100000x128xf32, #tpu.memory_space<hbm>>
        tpu.wait_indirect_dma semaphore(%arg19 : memref<!tpu.dma_semaphore, #tpu.memory_space<semaphore_mem>>) src(%dma_wait3A_188 : memref<100000x128xf32, #tpu.memory_space<hbm>>) dst(%dma_wait3A_184 : memref<64x128xf32, #tpu.memory_space<vmem>>)
        %mul3A_189 = arith.constant 64 : i32
        %mul3A_190 = arith.muli %sub3A_169, %mul3A_189 : i32
        %dma_wait3A_191 = arith.constant 0 : i32
        %dma_wait3A_192 = arith.constant 128 : i32
        %dma_wait3A_193 = tpu.memref_slice %arg13[%dma_wait3A_191, %dma_wait3A_192] : memref<64x256xf32, #tpu.memory_space<vmem>> -> memref<64x128xf32, #tpu.memory_space<vmem>>
        %dma_wait3A_194 = tpu.memref_slice %arg8[%mul3A_190] : memref<3136xi32, #tpu.memory_space<vmem>> -> memref<64xi32, #tpu.memory_space<vmem>>
        %dma_wait3A_195 = arith.constant 0 : i32
        %dma_wait3A_196 = arith.constant 0 : i32
        %dma_wait3A_197 = tpu.memref_slice %arg2[%dma_wait3A_195, %dma_wait3A_196] : memref<100000x128xf32, #tpu.memory_space<hbm>> -> memref<100000x128xf32, #tpu.memory_space<hbm>>
        tpu.wait_indirect_dma semaphore(%arg19 : memref<!tpu.dma_semaphore, #tpu.memory_space<semaphore_mem>>) src(%dma_wait3A_197 : memref<100000x128xf32, #tpu.memory_space<hbm>>) dst(%dma_wait3A_193 : memref<64x128xf32, #tpu.memory_space<vmem>>)
        %mul3A_198 = arith.constant 64 : i32
        %mul3A_199 = arith.muli %sub3A_169, %mul3A_198 : i32
        %dma_wait3A_200 = arith.constant 0 : i32
        %dma_wait3A_201 = arith.constant 0 : i32
        %dma_wait3A_202 = tpu.memref_slice %arg16[%dma_wait3A_200, %dma_wait3A_201] : memref<64x256xf32, #tpu.memory_space<vmem>> -> memref<64x128xf32, #tpu.memory_space<vmem>>
        %dma_wait3A_203 = tpu.memref_slice %arg9[%mul3A_199] : memref<3136xi32, #tpu.memory_space<vmem>> -> memref<64xi32, #tpu.memory_space<vmem>>
        %dma_wait3A_204 = arith.constant 0 : i32
        %dma_wait3A_205 = arith.constant 0 : i32
        %dma_wait3A_206 = tpu.memref_slice %arg2[%dma_wait3A_204, %dma_wait3A_205] : memref<100000x128xf32, #tpu.memory_space<hbm>> -> memref<100000x128xf32, #tpu.memory_space<hbm>>
        tpu.wait_indirect_dma semaphore(%arg22 : memref<!tpu.dma_semaphore, #tpu.memory_space<semaphore_mem>>) src(%dma_wait3A_206 : memref<100000x128xf32, #tpu.memory_space<hbm>>) dst(%dma_wait3A_202 : memref<64x128xf32, #tpu.memory_space<vmem>>)
        %mul3A_207 = arith.constant 64 : i32
        %mul3A_208 = arith.muli %sub3A_169, %mul3A_207 : i32
        %dma_wait3A_209 = arith.constant 0 : i32
        %dma_wait3A_210 = arith.constant 128 : i32
        %dma_wait3A_211 = tpu.memref_slice %arg16[%dma_wait3A_209, %dma_wait3A_210] : memref<64x256xf32, #tpu.memory_space<vmem>> -> memref<64x128xf32, #tpu.memory_space<vmem>>
        %dma_wait3A_212 = tpu.memref_slice %arg10[%mul3A_208] : memref<3136xi32, #tpu.memory_space<vmem>> -> memref<64xi32, #tpu.memory_space<vmem>>
        %dma_wait3A_213 = arith.constant 0 : i32
        %dma_wait3A_214 = arith.constant 0 : i32
        %dma_wait3A_215 = tpu.memref_slice %arg2[%dma_wait3A_213, %dma_wait3A_214] : memref<100000x128xf32, #tpu.memory_space<hbm>> -> memref<100000x128xf32, #tpu.memory_space<hbm>>
        tpu.wait_indirect_dma semaphore(%arg22 : memref<!tpu.dma_semaphore, #tpu.memory_space<semaphore_mem>>) src(%dma_wait3A_215 : memref<100000x128xf32, #tpu.memory_space<hbm>>) dst(%dma_wait3A_211 : memref<64x128xf32, #tpu.memory_space<vmem>>)
        %add3A_216 = arith.addi %select_n3A, %sub3A_169 : i32
        %lt3A_217 = arith.constant 1562 : i32
        %lt3A_218 = arith.cmpi slt, %add3A_216, %lt3A_217 : i32
        %convert_element_type3A_219 = arith.extui %lt3A_218 : i1 to i32
        %cond3A_220 = arith.constant 0 : i32
        %cond3A_221 = arith.cmpi ne, %convert_element_type3A_219, %cond3A_220 : i32
        scf.if %cond3A_221 {
          %mul3A_238 = arith.constant 64 : i32
          %mul3A_239 = arith.muli %add3A_216, %mul3A_238 : i32
          %dma_start3A = arith.constant 0 : i32
          %dma_start3A_240 = tpu.memref_slice %arg5[%mul3A_239, %dma_start3A] : memref<100000x256xf32, #tpu.memory_space<hbm>> -> memref<64x256xf32, #tpu.memory_space<hbm>>
          %dma_start3A_241 = arith.constant 0 : i32
          %dma_start3A_242 = tpu.memref_slice %arg5[%mul3A_239, %dma_start3A_241] : memref<100000x256xf32, #tpu.memory_space<hbm>> -> memref<64x256xf32, #tpu.memory_space<hbm>>
          tpu.enqueue_dma source(%arg13 : memref<64x256xf32, #tpu.memory_space<vmem>>) target(%dma_start3A_242 : memref<64x256xf32, #tpu.memory_space<hbm>>) target_semaphore(%arg25 : memref<!tpu.dma_semaphore, #tpu.memory_space<semaphore_mem>>)
        } else {
        }
        %eq3A_222 = arith.constant 1562 : i32
        %eq3A_223 = arith.cmpi eq, %add3A_216, %eq3A_222 : i32
        %convert_element_type3A_224 = arith.extui %eq3A_223 : i1 to i32
        %cond3A_225 = arith.constant 0 : i32
        %cond3A_226 = arith.cmpi ne, %convert_element_type3A_224, %cond3A_225 : i32
        scf.if %cond3A_226 {
          %dma_start3A = arith.constant 0 : i32
          %dma_start3A_238 = arith.constant 0 : i32
          %dma_start3A_239 = tpu.memref_slice %arg13[%dma_start3A, %dma_start3A_238] : memref<64x256xf32, #tpu.memory_space<vmem>> -> memref<32x256xf32, #tpu.memory_space<vmem>>
          %dma_start3A_240 = arith.constant 99968 : i32
          %dma_start3A_241 = arith.constant 0 : i32
          %dma_start3A_242 = tpu.memref_slice %arg5[%dma_start3A_240, %dma_start3A_241] : memref<100000x256xf32, #tpu.memory_space<hbm>> -> memref<32x256xf32, #tpu.memory_space<hbm>>
          %dma_start3A_243 = arith.constant 99968 : i32
          %dma_start3A_244 = arith.constant 0 : i32
          %dma_start3A_245 = tpu.memref_slice %arg5[%dma_start3A_243, %dma_start3A_244] : memref<100000x256xf32, #tpu.memory_space<hbm>> -> memref<32x256xf32, #tpu.memory_space<hbm>>
          %dma_start3A_246 = arith.constant 0 : i32
          %dma_start3A_247 = arith.constant 0 : i32
          %dma_start3A_248 = tpu.memref_slice %arg13[%dma_start3A_246, %dma_start3A_247] : memref<64x256xf32, #tpu.memory_space<vmem>> -> memref<32x256xf32, #tpu.memory_space<vmem>>
          tpu.enqueue_dma source(%dma_start3A_248 : memref<32x256xf32, #tpu.memory_space<vmem>>) target(%dma_start3A_245 : memref<32x256xf32, #tpu.memory_space<hbm>>) target_semaphore(%arg25 : memref<!tpu.dma_semaphore, #tpu.memory_space<semaphore_mem>>)
        } else {
        }
        %add3A_227 = arith.addi %select_n3A, %sub3A_169 : i32
        %lt3A_228 = arith.constant 1562 : i32
        %lt3A_229 = arith.cmpi slt, %add3A_227, %lt3A_228 : i32
        %convert_element_type3A_230 = arith.extui %lt3A_229 : i1 to i32
        %cond3A_231 = arith.constant 0 : i32
        %cond3A_232 = arith.cmpi ne, %convert_element_type3A_230, %cond3A_231 : i32
        scf.if %cond3A_232 {
          %mul3A_238 = arith.constant 64 : i32
          %mul3A_239 = arith.muli %add3A_227, %mul3A_238 : i32
          %dma_start3A = arith.constant 0 : i32
          %dma_start3A_240 = tpu.memref_slice %arg6[%mul3A_239, %dma_start3A] : memref<100000x256xf32, #tpu.memory_space<hbm>> -> memref<64x256xf32, #tpu.memory_space<hbm>>
          %dma_start3A_241 = arith.constant 0 : i32
          %dma_start3A_242 = tpu.memref_slice %arg6[%mul3A_239, %dma_start3A_241] : memref<100000x256xf32, #tpu.memory_space<hbm>> -> memref<64x256xf32, #tpu.memory_space<hbm>>
          tpu.enqueue_dma source(%arg16 : memref<64x256xf32, #tpu.memory_space<vmem>>) target(%dma_start3A_242 : memref<64x256xf32, #tpu.memory_space<hbm>>) target_semaphore(%arg28 : memref<!tpu.dma_semaphore, #tpu.memory_space<semaphore_mem>>)
        } else {
        }
        %eq3A_233 = arith.constant 1562 : i32
        %eq3A_234 = arith.cmpi eq, %add3A_227, %eq3A_233 : i32
        %convert_element_type3A_235 = arith.extui %eq3A_234 : i1 to i32
        %cond3A_236 = arith.constant 0 : i32
        %cond3A_237 = arith.cmpi ne, %convert_element_type3A_235, %cond3A_236 : i32
        scf.if %cond3A_237 {
          %dma_start3A = arith.constant 0 : i32
          %dma_start3A_238 = arith.constant 0 : i32
          %dma_start3A_239 = tpu.memref_slice %arg16[%dma_start3A, %dma_start3A_238] : memref<64x256xf32, #tpu.memory_space<vmem>> -> memref<32x256xf32, #tpu.memory_space<vmem>>
          %dma_start3A_240 = arith.constant 99968 : i32
          %dma_start3A_241 = arith.constant 0 : i32
          %dma_start3A_242 = tpu.memref_slice %arg6[%dma_start3A_240, %dma_start3A_241] : memref<100000x256xf32, #tpu.memory_space<hbm>> -> memref<32x256xf32, #tpu.memory_space<hbm>>
          %dma_start3A_243 = arith.constant 99968 : i32
          %dma_start3A_244 = arith.constant 0 : i32
          %dma_start3A_245 = tpu.memref_slice %arg6[%dma_start3A_243, %dma_start3A_244] : memref<100000x256xf32, #tpu.memory_space<hbm>> -> memref<32x256xf32, #tpu.memory_space<hbm>>
          %dma_start3A_246 = arith.constant 0 : i32
          %dma_start3A_247 = arith.constant 0 : i32
          %dma_start3A_248 = tpu.memref_slice %arg16[%dma_start3A_246, %dma_start3A_247] : memref<64x256xf32, #tpu.memory_space<vmem>> -> memref<32x256xf32, #tpu.memory_space<vmem>>
          tpu.enqueue_dma source(%dma_start3A_248 : memref<32x256xf32, #tpu.memory_space<vmem>>) target(%dma_start3A_245 : memref<32x256xf32, #tpu.memory_space<hbm>>) target_semaphore(%arg28 : memref<!tpu.dma_semaphore, #tpu.memory_space<semaphore_mem>>)
        } else {
        }
      } else {
      }
      %lt3A_177 = arith.cmpi slt, %add3A_167, %select_n3A_8 : i32
      %convert_element_type3A_178 = arith.extui %lt3A_177 : i1 to i32
      %cond3A_179 = arith.constant 0 : i32
      %cond3A_180 = arith.cmpi ne, %convert_element_type3A_178, %cond3A_179 : i32
      scf.if %cond3A_180 {
        %ge3A_181 = arith.constant 0 : i32
        %ge3A_182 = arith.cmpi sge, %sub3A_169, %ge3A_181 : i32
        %convert_element_type3A_183 = arith.extui %ge3A_182 : i1 to i32
        %cond3A_184 = arith.constant 0 : i32
        %cond3A_185 = arith.cmpi ne, %convert_element_type3A_183, %cond3A_184 : i32
        scf.if %cond3A_185 {
          %add3A_221 = arith.addi %select_n3A, %sub3A_169 : i32
          %lt3A_222 = arith.constant 1562 : i32
          %lt3A_223 = arith.cmpi slt, %add3A_221, %lt3A_222 : i32
          %convert_element_type3A_224 = arith.extui %lt3A_223 : i1 to i32
          %cond3A_225 = arith.constant 0 : i32
          %cond3A_226 = arith.cmpi ne, %convert_element_type3A_224, %cond3A_225 : i32
          scf.if %cond3A_226 {
            %mul3A_243 = arith.constant 64 : i32
            %mul3A_244 = arith.muli %add3A_221, %mul3A_243 : i32
            %dma_wait3A = arith.constant 0 : i32
            %dma_wait3A_245 = tpu.memref_slice %arg5[%mul3A_244, %dma_wait3A] : memref<100000x256xf32, #tpu.memory_space<hbm>> -> memref<64x256xf32, #tpu.memory_space<hbm>>
            %dma_wait3A_246 = arith.constant 0 : i32
            %dma_wait3A_247 = tpu.memref_slice %arg5[%mul3A_244, %dma_wait3A_246] : memref<100000x256xf32, #tpu.memory_space<hbm>> -> memref<64x256xf32, #tpu.memory_space<hbm>>
            tpu.wait_dma2 semaphore(%arg25 : memref<!tpu.dma_semaphore, #tpu.memory_space<semaphore_mem>>) src(%arg13 : memref<64x256xf32, #tpu.memory_space<vmem>>) dst(%dma_wait3A_247 : memref<64x256xf32, #tpu.memory_space<hbm>>)
          } else {
          }
          %eq3A_227 = arith.constant 1562 : i32
          %eq3A_228 = arith.cmpi eq, %add3A_221, %eq3A_227 : i32
          %convert_element_type3A_229 = arith.extui %eq3A_228 : i1 to i32
          %cond3A_230 = arith.constant 0 : i32
          %cond3A_231 = arith.cmpi ne, %convert_element_type3A_229, %cond3A_230 : i32
          scf.if %cond3A_231 {
            %dma_wait3A = arith.constant 0 : i32
            %dma_wait3A_243 = arith.constant 0 : i32
            %dma_wait3A_244 = tpu.memref_slice %arg13[%dma_wait3A, %dma_wait3A_243] : memref<64x256xf32, #tpu.memory_space<vmem>> -> memref<32x256xf32, #tpu.memory_space<vmem>>
            %dma_wait3A_245 = arith.constant 99968 : i32
            %dma_wait3A_246 = arith.constant 0 : i32
            %dma_wait3A_247 = tpu.memref_slice %arg5[%dma_wait3A_245, %dma_wait3A_246] : memref<100000x256xf32, #tpu.memory_space<hbm>> -> memref<32x256xf32, #tpu.memory_space<hbm>>
            %dma_wait3A_248 = arith.constant 99968 : i32
            %dma_wait3A_249 = arith.constant 0 : i32
            %dma_wait3A_250 = tpu.memref_slice %arg5[%dma_wait3A_248, %dma_wait3A_249] : memref<100000x256xf32, #tpu.memory_space<hbm>> -> memref<32x256xf32, #tpu.memory_space<hbm>>
            %dma_wait3A_251 = arith.constant 0 : i32
            %dma_wait3A_252 = arith.constant 0 : i32
            %dma_wait3A_253 = tpu.memref_slice %arg13[%dma_wait3A_251, %dma_wait3A_252] : memref<64x256xf32, #tpu.memory_space<vmem>> -> memref<32x256xf32, #tpu.memory_space<vmem>>
            tpu.wait_dma2 semaphore(%arg25 : memref<!tpu.dma_semaphore, #tpu.memory_space<semaphore_mem>>) src(%dma_wait3A_253 : memref<32x256xf32, #tpu.memory_space<vmem>>) dst(%dma_wait3A_250 : memref<32x256xf32, #tpu.memory_space<hbm>>)
          } else {
          }
          %add3A_232 = arith.addi %select_n3A, %sub3A_169 : i32
          %lt3A_233 = arith.constant 1562 : i32
          %lt3A_234 = arith.cmpi slt, %add3A_232, %lt3A_233 : i32
          %convert_element_type3A_235 = arith.extui %lt3A_234 : i1 to i32
          %cond3A_236 = arith.constant 0 : i32
          %cond3A_237 = arith.cmpi ne, %convert_element_type3A_235, %cond3A_236 : i32
          scf.if %cond3A_237 {
            %mul3A_243 = arith.constant 64 : i32
            %mul3A_244 = arith.muli %add3A_232, %mul3A_243 : i32
            %dma_wait3A = arith.constant 0 : i32
            %dma_wait3A_245 = tpu.memref_slice %arg6[%mul3A_244, %dma_wait3A] : memref<100000x256xf32, #tpu.memory_space<hbm>> -> memref<64x256xf32, #tpu.memory_space<hbm>>
            %dma_wait3A_246 = arith.constant 0 : i32
            %dma_wait3A_247 = tpu.memref_slice %arg6[%mul3A_244, %dma_wait3A_246] : memref<100000x256xf32, #tpu.memory_space<hbm>> -> memref<64x256xf32, #tpu.memory_space<hbm>>
            tpu.wait_dma2 semaphore(%arg28 : memref<!tpu.dma_semaphore, #tpu.memory_space<semaphore_mem>>) src(%arg16 : memref<64x256xf32, #tpu.memory_space<vmem>>) dst(%dma_wait3A_247 : memref<64x256xf32, #tpu.memory_space<hbm>>)
          } else {
          }
          %eq3A_238 = arith.constant 1562 : i32
          %eq3A_239 = arith.cmpi eq, %add3A_232, %eq3A_238 : i32
          %convert_element_type3A_240 = arith.extui %eq3A_239 : i1 to i32
          %cond3A_241 = arith.constant 0 : i32
          %cond3A_242 = arith.cmpi ne, %convert_element_type3A_240, %cond3A_241 : i32
          scf.if %cond3A_242 {
            %dma_wait3A = arith.constant 0 : i32
            %dma_wait3A_243 = arith.constant 0 : i32
            %dma_wait3A_244 = tpu.memref_slice %arg16[%dma_wait3A, %dma_wait3A_243] : memref<64x256xf32, #tpu.memory_space<vmem>> -> memref<32x256xf32, #tpu.memory_space<vmem>>
            %dma_wait3A_245 = arith.constant 99968 : i32
            %dma_wait3A_246 = arith.constant 0 : i32
            %dma_wait3A_247 = tpu.memref_slice %arg6[%dma_wait3A_245, %dma_wait3A_246] : memref<100000x256xf32, #tpu.memory_space<hbm>> -> memref<32x256xf32, #tpu.memory_space<hbm>>
            %dma_wait3A_248 = arith.constant 99968 : i32
            %dma_wait3A_249 = arith.constant 0 : i32
            %dma_wait3A_250 = tpu.memref_slice %arg6[%dma_wait3A_248, %dma_wait3A_249] : memref<100000x256xf32, #tpu.memory_space<hbm>> -> memref<32x256xf32, #tpu.memory_space<hbm>>
            %dma_wait3A_251 = arith.constant 0 : i32
            %dma_wait3A_252 = arith.constant 0 : i32
            %dma_wait3A_253 = tpu.memref_slice %arg16[%dma_wait3A_251, %dma_wait3A_252] : memref<64x256xf32, #tpu.memory_space<vmem>> -> memref<32x256xf32, #tpu.memory_space<vmem>>
            tpu.wait_dma2 semaphore(%arg28 : memref<!tpu.dma_semaphore, #tpu.memory_space<semaphore_mem>>) src(%dma_wait3A_253 : memref<32x256xf32, #tpu.memory_space<vmem>>) dst(%dma_wait3A_250 : memref<32x256xf32, #tpu.memory_space<hbm>>)
          } else {
          }
        } else {
        }
        %mul3A_186 = arith.constant 64 : i32
        %mul3A_187 = arith.muli %add3A_167, %mul3A_186 : i32
        %dma_start3A = arith.constant 0 : i32
        %dma_start3A_188 = arith.constant 0 : i32
        %dma_start3A_189 = tpu.memref_slice %arg13[%dma_start3A, %dma_start3A_188] : memref<64x256xf32, #tpu.memory_space<vmem>> -> memref<64x128xf32, #tpu.memory_space<vmem>>
        %dma_start3A_190 = tpu.memref_slice %arg7[%mul3A_187] : memref<3136xi32, #tpu.memory_space<vmem>> -> memref<64xi32, #tpu.memory_space<vmem>>
        %dma_start3A_191 = arith.constant 0 : i32
        %dma_start3A_192 = arith.constant 0 : i32
        %dma_start3A_193 = tpu.memref_slice %arg2[%dma_start3A_191, %dma_start3A_192] : memref<100000x128xf32, #tpu.memory_space<hbm>> -> memref<100000x128xf32, #tpu.memory_space<hbm>>
        tpu.enqueue_indirect_dma source(%dma_start3A_193 : memref<100000x128xf32, #tpu.memory_space<hbm>>) target(%dma_start3A_189 : memref<64x128xf32, #tpu.memory_space<vmem>>) offsets(%dma_start3A_190 : memref<64xi32, #tpu.memory_space<vmem>>) semaphore(%arg19 : memref<!tpu.dma_semaphore, #tpu.memory_space<semaphore_mem>>)
        %mul3A_194 = arith.constant 64 : i32
        %mul3A_195 = arith.muli %add3A_167, %mul3A_194 : i32
        %dma_start3A_196 = arith.constant 0 : i32
        %dma_start3A_197 = arith.constant 128 : i32
        %dma_start3A_198 = tpu.memref_slice %arg13[%dma_start3A_196, %dma_start3A_197] : memref<64x256xf32, #tpu.memory_space<vmem>> -> memref<64x128xf32, #tpu.memory_space<vmem>>
        %dma_start3A_199 = tpu.memref_slice %arg8[%mul3A_195] : memref<3136xi32, #tpu.memory_space<vmem>> -> memref<64xi32, #tpu.memory_space<vmem>>
        %dma_start3A_200 = arith.constant 0 : i32
        %dma_start3A_201 = arith.constant 0 : i32
        %dma_start3A_202 = tpu.memref_slice %arg2[%dma_start3A_200, %dma_start3A_201] : memref<100000x128xf32, #tpu.memory_space<hbm>> -> memref<100000x128xf32, #tpu.memory_space<hbm>>
        tpu.enqueue_indirect_dma source(%dma_start3A_202 : memref<100000x128xf32, #tpu.memory_space<hbm>>) target(%dma_start3A_198 : memref<64x128xf32, #tpu.memory_space<vmem>>) offsets(%dma_start3A_199 : memref<64xi32, #tpu.memory_space<vmem>>) semaphore(%arg19 : memref<!tpu.dma_semaphore, #tpu.memory_space<semaphore_mem>>)
        %mul3A_203 = arith.constant 64 : i32
        %mul3A_204 = arith.muli %add3A_167, %mul3A_203 : i32
        %dma_start3A_205 = arith.constant 0 : i32
        %dma_start3A_206 = arith.constant 0 : i32
        %dma_start3A_207 = tpu.memref_slice %arg16[%dma_start3A_205, %dma_start3A_206] : memref<64x256xf32, #tpu.memory_space<vmem>> -> memref<64x128xf32, #tpu.memory_space<vmem>>
        %dma_start3A_208 = tpu.memref_slice %arg9[%mul3A_204] : memref<3136xi32, #tpu.memory_space<vmem>> -> memref<64xi32, #tpu.memory_space<vmem>>
        %dma_start3A_209 = arith.constant 0 : i32
        %dma_start3A_210 = arith.constant 0 : i32
        %dma_start3A_211 = tpu.memref_slice %arg2[%dma_start3A_209, %dma_start3A_210] : memref<100000x128xf32, #tpu.memory_space<hbm>> -> memref<100000x128xf32, #tpu.memory_space<hbm>>
        tpu.enqueue_indirect_dma source(%dma_start3A_211 : memref<100000x128xf32, #tpu.memory_space<hbm>>) target(%dma_start3A_207 : memref<64x128xf32, #tpu.memory_space<vmem>>) offsets(%dma_start3A_208 : memref<64xi32, #tpu.memory_space<vmem>>) semaphore(%arg22 : memref<!tpu.dma_semaphore, #tpu.memory_space<semaphore_mem>>)
        %mul3A_212 = arith.constant 64 : i32
        %mul3A_213 = arith.muli %add3A_167, %mul3A_212 : i32
        %dma_start3A_214 = arith.constant 0 : i32
        %dma_start3A_215 = arith.constant 128 : i32
        %dma_start3A_216 = tpu.memref_slice %arg16[%dma_start3A_214, %dma_start3A_215] : memref<64x256xf32, #tpu.memory_space<vmem>> -> memref<64x128xf32, #tpu.memory_space<vmem>>
        %dma_start3A_217 = tpu.memref_slice %arg10[%mul3A_213] : memref<3136xi32, #tpu.memory_space<vmem>> -> memref<64xi32, #tpu.memory_space<vmem>>
        %dma_start3A_218 = arith.constant 0 : i32
        %dma_start3A_219 = arith.constant 0 : i32
        %dma_start3A_220 = tpu.memref_slice %arg2[%dma_start3A_218, %dma_start3A_219] : memref<100000x128xf32, #tpu.memory_space<hbm>> -> memref<100000x128xf32, #tpu.memory_space<hbm>>
        tpu.enqueue_indirect_dma source(%dma_start3A_220 : memref<100000x128xf32, #tpu.memory_space<hbm>>) target(%dma_start3A_216 : memref<64x128xf32, #tpu.memory_space<vmem>>) offsets(%dma_start3A_217 : memref<64xi32, #tpu.memory_space<vmem>>) semaphore(%arg22 : memref<!tpu.dma_semaphore, #tpu.memory_space<semaphore_mem>>)
      } else {
      }
    }
    %scan3A_24 = arith.constant 18 : i32
    %sub3A = arith.constant 1 : i32
    %sub3A_25 = arith.subi %select_n3A_8, %sub3A : i32
    %sub3A_26 = arith.constant 0 : i32
    %sub3A_27 = arith.subi %sub3A_25, %sub3A_26 : i32
    %jit3A_28 = arith.constant 3 : i32
    %div3A = arith.divsi %sub3A_27, %jit3A_28 : i32
    %sign3A = arith.constant 0 : i32
    %sign3A_29 = arith.cmpi sgt, %sub3A_27, %sign3A : i32
    %sign3A_30 = arith.extui %sign3A_29 : i1 to i32
    %sign3A_31 = arith.constant 0 : i32
    %sign3A_32 = arith.cmpi slt, %sub3A_27, %sign3A_31 : i32
    %sign3A_33 = arith.extui %sign3A_32 : i1 to i32
    %sign3A_34 = arith.subi %sign3A_30, %sign3A_33 : i32
    %sign3A_35 = arith.constant 0 : i32
    %sign3A_36 = arith.cmpi sgt, %jit3A_28, %sign3A_35 : i32
    %sign3A_37 = arith.extui %sign3A_36 : i1 to i32
    %sign3A_38 = arith.constant 0 : i32
    %sign3A_39 = arith.cmpi slt, %jit3A_28, %sign3A_38 : i32
    %sign3A_40 = arith.extui %sign3A_39 : i1 to i32
    %sign3A_41 = arith.subi %sign3A_37, %sign3A_40 : i32
    %ne3A = arith.cmpi ne, %sign3A_34, %sign3A_41 : i32
    %rem3A = arith.remsi %sub3A_27, %jit3A_28 : i32
    %ne3A_42 = arith.constant 0 : i32
    %ne3A_43 = arith.cmpi ne, %rem3A, %ne3A_42 : i32
    %and3A_44 = arith.andi %ne3A, %ne3A_43 : i1
    %sub3A_45 = arith.constant 1 : i32
    %sub3A_46 = arith.subi %div3A, %sub3A_45 : i32
    %select_n3A_47 = arith.select %and3A_44, %sub3A_46, %div3A : i32
    %mul3A_48 = arith.constant 3 : i32
    %mul3A_49 = arith.muli %select_n3A_47, %mul3A_48 : i32
    %add3A_50 = arith.constant 0 : i32
    %add3A_51 = arith.addi %mul3A_49, %add3A_50 : i32
    %ge3A = arith.constant 0 : i32
    %ge3A_52 = arith.cmpi sge, %add3A_51, %ge3A : i32
    %convert_element_type3A_53 = arith.extui %ge3A_52 : i1 to i32
    %cond3A_54 = arith.constant 0 : i32
    %cond3A_55 = arith.cmpi ne, %convert_element_type3A_53, %cond3A_54 : i32
    scf.if %cond3A_55 {
      %add3A_130 = arith.addi %select_n3A, %add3A_51 : i32
      %lt3A = arith.constant 1562 : i32
      %lt3A_131 = arith.cmpi slt, %add3A_130, %lt3A : i32
      %convert_element_type3A_132 = arith.extui %lt3A_131 : i1 to i32
      %cond3A_133 = arith.constant 0 : i32
      %cond3A_134 = arith.cmpi ne, %convert_element_type3A_132, %cond3A_133 : i32
      scf.if %cond3A_134 {
        %mul3A_151 = arith.constant 64 : i32
        %mul3A_152 = arith.muli %add3A_130, %mul3A_151 : i32
        %dma_wait3A = arith.constant 0 : i32
        %dma_wait3A_153 = tpu.memref_slice %arg5[%mul3A_152, %dma_wait3A] : memref<100000x256xf32, #tpu.memory_space<hbm>> -> memref<64x256xf32, #tpu.memory_space<hbm>>
        %dma_wait3A_154 = arith.constant 0 : i32
        %dma_wait3A_155 = tpu.memref_slice %arg5[%mul3A_152, %dma_wait3A_154] : memref<100000x256xf32, #tpu.memory_space<hbm>> -> memref<64x256xf32, #tpu.memory_space<hbm>>
        tpu.wait_dma2 semaphore(%arg23 : memref<!tpu.dma_semaphore, #tpu.memory_space<semaphore_mem>>) src(%arg11 : memref<64x256xf32, #tpu.memory_space<vmem>>) dst(%dma_wait3A_155 : memref<64x256xf32, #tpu.memory_space<hbm>>)
      } else {
      }
      %eq3A_135 = arith.constant 1562 : i32
      %eq3A_136 = arith.cmpi eq, %add3A_130, %eq3A_135 : i32
      %convert_element_type3A_137 = arith.extui %eq3A_136 : i1 to i32
      %cond3A_138 = arith.constant 0 : i32
      %cond3A_139 = arith.cmpi ne, %convert_element_type3A_137, %cond3A_138 : i32
      scf.if %cond3A_139 {
        %dma_wait3A = arith.constant 0 : i32
        %dma_wait3A_151 = arith.constant 0 : i32
        %dma_wait3A_152 = tpu.memref_slice %arg11[%dma_wait3A, %dma_wait3A_151] : memref<64x256xf32, #tpu.memory_space<vmem>> -> memref<32x256xf32, #tpu.memory_space<vmem>>
        %dma_wait3A_153 = arith.constant 99968 : i32
        %dma_wait3A_154 = arith.constant 0 : i32
        %dma_wait3A_155 = tpu.memref_slice %arg5[%dma_wait3A_153, %dma_wait3A_154] : memref<100000x256xf32, #tpu.memory_space<hbm>> -> memref<32x256xf32, #tpu.memory_space<hbm>>
        %dma_wait3A_156 = arith.constant 99968 : i32
        %dma_wait3A_157 = arith.constant 0 : i32
        %dma_wait3A_158 = tpu.memref_slice %arg5[%dma_wait3A_156, %dma_wait3A_157] : memref<100000x256xf32, #tpu.memory_space<hbm>> -> memref<32x256xf32, #tpu.memory_space<hbm>>
        %dma_wait3A_159 = arith.constant 0 : i32
        %dma_wait3A_160 = arith.constant 0 : i32
        %dma_wait3A_161 = tpu.memref_slice %arg11[%dma_wait3A_159, %dma_wait3A_160] : memref<64x256xf32, #tpu.memory_space<vmem>> -> memref<32x256xf32, #tpu.memory_space<vmem>>
        tpu.wait_dma2 semaphore(%arg23 : memref<!tpu.dma_semaphore, #tpu.memory_space<semaphore_mem>>) src(%dma_wait3A_161 : memref<32x256xf32, #tpu.memory_space<vmem>>) dst(%dma_wait3A_158 : memref<32x256xf32, #tpu.memory_space<hbm>>)
      } else {
      }
      %add3A_140 = arith.addi %select_n3A, %add3A_51 : i32
      %lt3A_141 = arith.constant 1562 : i32
      %lt3A_142 = arith.cmpi slt, %add3A_140, %lt3A_141 : i32
      %convert_element_type3A_143 = arith.extui %lt3A_142 : i1 to i32
      %cond3A_144 = arith.constant 0 : i32
      %cond3A_145 = arith.cmpi ne, %convert_element_type3A_143, %cond3A_144 : i32
      scf.if %cond3A_145 {
        %mul3A_151 = arith.constant 64 : i32
        %mul3A_152 = arith.muli %add3A_140, %mul3A_151 : i32
        %dma_wait3A = arith.constant 0 : i32
        %dma_wait3A_153 = tpu.memref_slice %arg6[%mul3A_152, %dma_wait3A] : memref<100000x256xf32, #tpu.memory_space<hbm>> -> memref<64x256xf32, #tpu.memory_space<hbm>>
        %dma_wait3A_154 = arith.constant 0 : i32
        %dma_wait3A_155 = tpu.memref_slice %arg6[%mul3A_152, %dma_wait3A_154] : memref<100000x256xf32, #tpu.memory_space<hbm>> -> memref<64x256xf32, #tpu.memory_space<hbm>>
        tpu.wait_dma2 semaphore(%arg26 : memref<!tpu.dma_semaphore, #tpu.memory_space<semaphore_mem>>) src(%arg14 : memref<64x256xf32, #tpu.memory_space<vmem>>) dst(%dma_wait3A_155 : memref<64x256xf32, #tpu.memory_space<hbm>>)
      } else {
      }
      %eq3A_146 = arith.constant 1562 : i32
      %eq3A_147 = arith.cmpi eq, %add3A_140, %eq3A_146 : i32
      %convert_element_type3A_148 = arith.extui %eq3A_147 : i1 to i32
      %cond3A_149 = arith.constant 0 : i32
      %cond3A_150 = arith.cmpi ne, %convert_element_type3A_148, %cond3A_149 : i32
      scf.if %cond3A_150 {
        %dma_wait3A = arith.constant 0 : i32
        %dma_wait3A_151 = arith.constant 0 : i32
        %dma_wait3A_152 = tpu.memref_slice %arg14[%dma_wait3A, %dma_wait3A_151] : memref<64x256xf32, #tpu.memory_space<vmem>> -> memref<32x256xf32, #tpu.memory_space<vmem>>
        %dma_wait3A_153 = arith.constant 99968 : i32
        %dma_wait3A_154 = arith.constant 0 : i32
        %dma_wait3A_155 = tpu.memref_slice %arg6[%dma_wait3A_153, %dma_wait3A_154] : memref<100000x256xf32, #tpu.memory_space<hbm>> -> memref<32x256xf32, #tpu.memory_space<hbm>>
        %dma_wait3A_156 = arith.constant 99968 : i32
        %dma_wait3A_157 = arith.constant 0 : i32
        %dma_wait3A_158 = tpu.memref_slice %arg6[%dma_wait3A_156, %dma_wait3A_157] : memref<100000x256xf32, #tpu.memory_space<hbm>> -> memref<32x256xf32, #tpu.memory_space<hbm>>
        %dma_wait3A_159 = arith.constant 0 : i32
        %dma_wait3A_160 = arith.constant 0 : i32
        %dma_wait3A_161 = tpu.memref_slice %arg14[%dma_wait3A_159, %dma_wait3A_160] : memref<64x256xf32, #tpu.memory_space<vmem>> -> memref<32x256xf32, #tpu.memory_space<vmem>>
        tpu.wait_dma2 semaphore(%arg26 : memref<!tpu.dma_semaphore, #tpu.memory_space<semaphore_mem>>) src(%dma_wait3A_161 : memref<32x256xf32, #tpu.memory_space<vmem>>) dst(%dma_wait3A_158 : memref<32x256xf32, #tpu.memory_space<hbm>>)
      } else {
      }
    } else {
    }
    %sub3A_56 = arith.constant 1 : i32
    %sub3A_57 = arith.subi %select_n3A_8, %sub3A_56 : i32
    %sub3A_58 = arith.constant 1 : i32
    %sub3A_59 = arith.subi %sub3A_57, %sub3A_58 : i32
    %jit3A_60 = arith.constant 3 : i32
    %div3A_61 = arith.divsi %sub3A_59, %jit3A_60 : i32
    %sign3A_62 = arith.constant 0 : i32
    %sign3A_63 = arith.cmpi sgt, %sub3A_59, %sign3A_62 : i32
    %sign3A_64 = arith.extui %sign3A_63 : i1 to i32
    %sign3A_65 = arith.constant 0 : i32
    %sign3A_66 = arith.cmpi slt, %sub3A_59, %sign3A_65 : i32
    %sign3A_67 = arith.extui %sign3A_66 : i1 to i32
    %sign3A_68 = arith.subi %sign3A_64, %sign3A_67 : i32
    %sign3A_69 = arith.constant 0 : i32
    %sign3A_70 = arith.cmpi sgt, %jit3A_60, %sign3A_69 : i32
    %sign3A_71 = arith.extui %sign3A_70 : i1 to i32
    %sign3A_72 = arith.constant 0 : i32
    %sign3A_73 = arith.cmpi slt, %jit3A_60, %sign3A_72 : i32
    %sign3A_74 = arith.extui %sign3A_73 : i1 to i32
    %sign3A_75 = arith.subi %sign3A_71, %sign3A_74 : i32
    %ne3A_76 = arith.cmpi ne, %sign3A_68, %sign3A_75 : i32
    %rem3A_77 = arith.remsi %sub3A_59, %jit3A_60 : i32
    %ne3A_78 = arith.constant 0 : i32
    %ne3A_79 = arith.cmpi ne, %rem3A_77, %ne3A_78 : i32
    %and3A_80 = arith.andi %ne3A_76, %ne3A_79 : i1
    %sub3A_81 = arith.constant 1 : i32
    %sub3A_82 = arith.subi %div3A_61, %sub3A_81 : i32
    %select_n3A_83 = arith.select %and3A_80, %sub3A_82, %div3A_61 : i32
    %mul3A_84 = arith.constant 3 : i32
    %mul3A_85 = arith.muli %select_n3A_83, %mul3A_84 : i32
    %add3A_86 = arith.constant 1 : i32
    %add3A_87 = arith.addi %mul3A_85, %add3A_86 : i32
    %ge3A_88 = arith.constant 0 : i32
    %ge3A_89 = arith.cmpi sge, %add3A_87, %ge3A_88 : i32
    %convert_element_type3A_90 = arith.extui %ge3A_89 : i1 to i32
    %cond3A_91 = arith.constant 0 : i32
    %cond3A_92 = arith.cmpi ne, %convert_element_type3A_90, %cond3A_91 : i32
    scf.if %cond3A_92 {
      %add3A_130 = arith.addi %select_n3A, %add3A_87 : i32
      %lt3A = arith.constant 1562 : i32
      %lt3A_131 = arith.cmpi slt, %add3A_130, %lt3A : i32
      %convert_element_type3A_132 = arith.extui %lt3A_131 : i1 to i32
      %cond3A_133 = arith.constant 0 : i32
      %cond3A_134 = arith.cmpi ne, %convert_element_type3A_132, %cond3A_133 : i32
      scf.if %cond3A_134 {
        %mul3A_151 = arith.constant 64 : i32
        %mul3A_152 = arith.muli %add3A_130, %mul3A_151 : i32
        %dma_wait3A = arith.constant 0 : i32
        %dma_wait3A_153 = tpu.memref_slice %arg5[%mul3A_152, %dma_wait3A] : memref<100000x256xf32, #tpu.memory_space<hbm>> -> memref<64x256xf32, #tpu.memory_space<hbm>>
        %dma_wait3A_154 = arith.constant 0 : i32
        %dma_wait3A_155 = tpu.memref_slice %arg5[%mul3A_152, %dma_wait3A_154] : memref<100000x256xf32, #tpu.memory_space<hbm>> -> memref<64x256xf32, #tpu.memory_space<hbm>>
        tpu.wait_dma2 semaphore(%arg24 : memref<!tpu.dma_semaphore, #tpu.memory_space<semaphore_mem>>) src(%arg12 : memref<64x256xf32, #tpu.memory_space<vmem>>) dst(%dma_wait3A_155 : memref<64x256xf32, #tpu.memory_space<hbm>>)
      } else {
      }
      %eq3A_135 = arith.constant 1562 : i32
      %eq3A_136 = arith.cmpi eq, %add3A_130, %eq3A_135 : i32
      %convert_element_type3A_137 = arith.extui %eq3A_136 : i1 to i32
      %cond3A_138 = arith.constant 0 : i32
      %cond3A_139 = arith.cmpi ne, %convert_element_type3A_137, %cond3A_138 : i32
      scf.if %cond3A_139 {
        %dma_wait3A = arith.constant 0 : i32
        %dma_wait3A_151 = arith.constant 0 : i32
        %dma_wait3A_152 = tpu.memref_slice %arg12[%dma_wait3A, %dma_wait3A_151] : memref<64x256xf32, #tpu.memory_space<vmem>> -> memref<32x256xf32, #tpu.memory_space<vmem>>
        %dma_wait3A_153 = arith.constant 99968 : i32
        %dma_wait3A_154 = arith.constant 0 : i32
        %dma_wait3A_155 = tpu.memref_slice %arg5[%dma_wait3A_153, %dma_wait3A_154] : memref<100000x256xf32, #tpu.memory_space<hbm>> -> memref<32x256xf32, #tpu.memory_space<hbm>>
        %dma_wait3A_156 = arith.constant 99968 : i32
        %dma_wait3A_157 = arith.constant 0 : i32
        %dma_wait3A_158 = tpu.memref_slice %arg5[%dma_wait3A_156, %dma_wait3A_157] : memref<100000x256xf32, #tpu.memory_space<hbm>> -> memref<32x256xf32, #tpu.memory_space<hbm>>
        %dma_wait3A_159 = arith.constant 0 : i32
        %dma_wait3A_160 = arith.constant 0 : i32
        %dma_wait3A_161 = tpu.memref_slice %arg12[%dma_wait3A_159, %dma_wait3A_160] : memref<64x256xf32, #tpu.memory_space<vmem>> -> memref<32x256xf32, #tpu.memory_space<vmem>>
        tpu.wait_dma2 semaphore(%arg24 : memref<!tpu.dma_semaphore, #tpu.memory_space<semaphore_mem>>) src(%dma_wait3A_161 : memref<32x256xf32, #tpu.memory_space<vmem>>) dst(%dma_wait3A_158 : memref<32x256xf32, #tpu.memory_space<hbm>>)
      } else {
      }
      %add3A_140 = arith.addi %select_n3A, %add3A_87 : i32
      %lt3A_141 = arith.constant 1562 : i32
      %lt3A_142 = arith.cmpi slt, %add3A_140, %lt3A_141 : i32
      %convert_element_type3A_143 = arith.extui %lt3A_142 : i1 to i32
      %cond3A_144 = arith.constant 0 : i32
      %cond3A_145 = arith.cmpi ne, %convert_element_type3A_143, %cond3A_144 : i32
      scf.if %cond3A_145 {
        %mul3A_151 = arith.constant 64 : i32
        %mul3A_152 = arith.muli %add3A_140, %mul3A_151 : i32
        %dma_wait3A = arith.constant 0 : i32
        %dma_wait3A_153 = tpu.memref_slice %arg6[%mul3A_152, %dma_wait3A] : memref<100000x256xf32, #tpu.memory_space<hbm>> -> memref<64x256xf32, #tpu.memory_space<hbm>>
        %dma_wait3A_154 = arith.constant 0 : i32
        %dma_wait3A_155 = tpu.memref_slice %arg6[%mul3A_152, %dma_wait3A_154] : memref<100000x256xf32, #tpu.memory_space<hbm>> -> memref<64x256xf32, #tpu.memory_space<hbm>>
        tpu.wait_dma2 semaphore(%arg27 : memref<!tpu.dma_semaphore, #tpu.memory_space<semaphore_mem>>) src(%arg15 : memref<64x256xf32, #tpu.memory_space<vmem>>) dst(%dma_wait3A_155 : memref<64x256xf32, #tpu.memory_space<hbm>>)
      } else {
      }
      %eq3A_146 = arith.constant 1562 : i32
      %eq3A_147 = arith.cmpi eq, %add3A_140, %eq3A_146 : i32
      %convert_element_type3A_148 = arith.extui %eq3A_147 : i1 to i32
      %cond3A_149 = arith.constant 0 : i32
      %cond3A_150 = arith.cmpi ne, %convert_element_type3A_148, %cond3A_149 : i32
      scf.if %cond3A_150 {
        %dma_wait3A = arith.constant 0 : i32
        %dma_wait3A_151 = arith.constant 0 : i32
        %dma_wait3A_152 = tpu.memref_slice %arg15[%dma_wait3A, %dma_wait3A_151] : memref<64x256xf32, #tpu.memory_space<vmem>> -> memref<32x256xf32, #tpu.memory_space<vmem>>
        %dma_wait3A_153 = arith.constant 99968 : i32
        %dma_wait3A_154 = arith.constant 0 : i32
        %dma_wait3A_155 = tpu.memref_slice %arg6[%dma_wait3A_153, %dma_wait3A_154] : memref<100000x256xf32, #tpu.memory_space<hbm>> -> memref<32x256xf32, #tpu.memory_space<hbm>>
        %dma_wait3A_156 = arith.constant 99968 : i32
        %dma_wait3A_157 = arith.constant 0 : i32
        %dma_wait3A_158 = tpu.memref_slice %arg6[%dma_wait3A_156, %dma_wait3A_157] : memref<100000x256xf32, #tpu.memory_space<hbm>> -> memref<32x256xf32, #tpu.memory_space<hbm>>
        %dma_wait3A_159 = arith.constant 0 : i32
        %dma_wait3A_160 = arith.constant 0 : i32
        %dma_wait3A_161 = tpu.memref_slice %arg15[%dma_wait3A_159, %dma_wait3A_160] : memref<64x256xf32, #tpu.memory_space<vmem>> -> memref<32x256xf32, #tpu.memory_space<vmem>>
        tpu.wait_dma2 semaphore(%arg27 : memref<!tpu.dma_semaphore, #tpu.memory_space<semaphore_mem>>) src(%dma_wait3A_161 : memref<32x256xf32, #tpu.memory_space<vmem>>) dst(%dma_wait3A_158 : memref<32x256xf32, #tpu.memory_space<hbm>>)
      } else {
      }
    } else {
    }
    %sub3A_93 = arith.constant 1 : i32
    %sub3A_94 = arith.subi %select_n3A_8, %sub3A_93 : i32
    %sub3A_95 = arith.constant 2 : i32
    %sub3A_96 = arith.subi %sub3A_94, %sub3A_95 : i32
    %jit3A_97 = arith.constant 3 : i32
    %div3A_98 = arith.divsi %sub3A_96, %jit3A_97 : i32
    %sign3A_99 = arith.constant 0 : i32
    %sign3A_100 = arith.cmpi sgt, %sub3A_96, %sign3A_99 : i32
    %sign3A_101 = arith.extui %sign3A_100 : i1 to i32
    %sign3A_102 = arith.constant 0 : i32
    %sign3A_103 = arith.cmpi slt, %sub3A_96, %sign3A_102 : i32
    %sign3A_104 = arith.extui %sign3A_103 : i1 to i32
    %sign3A_105 = arith.subi %sign3A_101, %sign3A_104 : i32
    %sign3A_106 = arith.constant 0 : i32
    %sign3A_107 = arith.cmpi sgt, %jit3A_97, %sign3A_106 : i32
    %sign3A_108 = arith.extui %sign3A_107 : i1 to i32
    %sign3A_109 = arith.constant 0 : i32
    %sign3A_110 = arith.cmpi slt, %jit3A_97, %sign3A_109 : i32
    %sign3A_111 = arith.extui %sign3A_110 : i1 to i32
    %sign3A_112 = arith.subi %sign3A_108, %sign3A_111 : i32
    %ne3A_113 = arith.cmpi ne, %sign3A_105, %sign3A_112 : i32
    %rem3A_114 = arith.remsi %sub3A_96, %jit3A_97 : i32
    %ne3A_115 = arith.constant 0 : i32
    %ne3A_116 = arith.cmpi ne, %rem3A_114, %ne3A_115 : i32
    %and3A_117 = arith.andi %ne3A_113, %ne3A_116 : i1
    %sub3A_118 = arith.constant 1 : i32
    %sub3A_119 = arith.subi %div3A_98, %sub3A_118 : i32
    %select_n3A_120 = arith.select %and3A_117, %sub3A_119, %div3A_98 : i32
    %mul3A_121 = arith.constant 3 : i32
    %mul3A_122 = arith.muli %select_n3A_120, %mul3A_121 : i32
    %add3A_123 = arith.constant 2 : i32
    %add3A_124 = arith.addi %mul3A_122, %add3A_123 : i32
    %ge3A_125 = arith.constant 0 : i32
    %ge3A_126 = arith.cmpi sge, %add3A_124, %ge3A_125 : i32
    %convert_element_type3A_127 = arith.extui %ge3A_126 : i1 to i32
    %cond3A_128 = arith.constant 0 : i32
    %cond3A_129 = arith.cmpi ne, %convert_element_type3A_127, %cond3A_128 : i32
    scf.if %cond3A_129 {
      %add3A_130 = arith.addi %select_n3A, %add3A_124 : i32
      %lt3A = arith.constant 1562 : i32
      %lt3A_131 = arith.cmpi slt, %add3A_130, %lt3A : i32
      %convert_element_type3A_132 = arith.extui %lt3A_131 : i1 to i32
      %cond3A_133 = arith.constant 0 : i32
      %cond3A_134 = arith.cmpi ne, %convert_element_type3A_132, %cond3A_133 : i32
      scf.if %cond3A_134 {
        %mul3A_151 = arith.constant 64 : i32
        %mul3A_152 = arith.muli %add3A_130, %mul3A_151 : i32
        %dma_wait3A = arith.constant 0 : i32
        %dma_wait3A_153 = tpu.memref_slice %arg5[%mul3A_152, %dma_wait3A] : memref<100000x256xf32, #tpu.memory_space<hbm>> -> memref<64x256xf32, #tpu.memory_space<hbm>>
        %dma_wait3A_154 = arith.constant 0 : i32
        %dma_wait3A_155 = tpu.memref_slice %arg5[%mul3A_152, %dma_wait3A_154] : memref<100000x256xf32, #tpu.memory_space<hbm>> -> memref<64x256xf32, #tpu.memory_space<hbm>>
        tpu.wait_dma2 semaphore(%arg25 : memref<!tpu.dma_semaphore, #tpu.memory_space<semaphore_mem>>) src(%arg13 : memref<64x256xf32, #tpu.memory_space<vmem>>) dst(%dma_wait3A_155 : memref<64x256xf32, #tpu.memory_space<hbm>>)
      } else {
      }
      %eq3A_135 = arith.constant 1562 : i32
      %eq3A_136 = arith.cmpi eq, %add3A_130, %eq3A_135 : i32
      %convert_element_type3A_137 = arith.extui %eq3A_136 : i1 to i32
      %cond3A_138 = arith.constant 0 : i32
      %cond3A_139 = arith.cmpi ne, %convert_element_type3A_137, %cond3A_138 : i32
      scf.if %cond3A_139 {
        %dma_wait3A = arith.constant 0 : i32
        %dma_wait3A_151 = arith.constant 0 : i32
        %dma_wait3A_152 = tpu.memref_slice %arg13[%dma_wait3A, %dma_wait3A_151] : memref<64x256xf32, #tpu.memory_space<vmem>> -> memref<32x256xf32, #tpu.memory_space<vmem>>
        %dma_wait3A_153 = arith.constant 99968 : i32
        %dma_wait3A_154 = arith.constant 0 : i32
        %dma_wait3A_155 = tpu.memref_slice %arg5[%dma_wait3A_153, %dma_wait3A_154] : memref<100000x256xf32, #tpu.memory_space<hbm>> -> memref<32x256xf32, #tpu.memory_space<hbm>>
        %dma_wait3A_156 = arith.constant 99968 : i32
        %dma_wait3A_157 = arith.constant 0 : i32
        %dma_wait3A_158 = tpu.memref_slice %arg5[%dma_wait3A_156, %dma_wait3A_157] : memref<100000x256xf32, #tpu.memory_space<hbm>> -> memref<32x256xf32, #tpu.memory_space<hbm>>
        %dma_wait3A_159 = arith.constant 0 : i32
        %dma_wait3A_160 = arith.constant 0 : i32
        %dma_wait3A_161 = tpu.memref_slice %arg13[%dma_wait3A_159, %dma_wait3A_160] : memref<64x256xf32, #tpu.memory_space<vmem>> -> memref<32x256xf32, #tpu.memory_space<vmem>>
        tpu.wait_dma2 semaphore(%arg25 : memref<!tpu.dma_semaphore, #tpu.memory_space<semaphore_mem>>) src(%dma_wait3A_161 : memref<32x256xf32, #tpu.memory_space<vmem>>) dst(%dma_wait3A_158 : memref<32x256xf32, #tpu.memory_space<hbm>>)
      } else {
      }
      %add3A_140 = arith.addi %select_n3A, %add3A_124 : i32
      %lt3A_141 = arith.constant 1562 : i32
      %lt3A_142 = arith.cmpi slt, %add3A_140, %lt3A_141 : i32
      %convert_element_type3A_143 = arith.extui %lt3A_142 : i1 to i32
      %cond3A_144 = arith.constant 0 : i32
      %cond3A_145 = arith.cmpi ne, %convert_element_type3A_143, %cond3A_144 : i32
      scf.if %cond3A_145 {
        %mul3A_151 = arith.constant 64 : i32
        %mul3A_152 = arith.muli %add3A_140, %mul3A_151 : i32
        %dma_wait3A = arith.constant 0 : i32
        %dma_wait3A_153 = tpu.memref_slice %arg6[%mul3A_152, %dma_wait3A] : memref<100000x256xf32, #tpu.memory_space<hbm>> -> memref<64x256xf32, #tpu.memory_space<hbm>>
        %dma_wait3A_154 = arith.constant 0 : i32
        %dma_wait3A_155 = tpu.memref_slice %arg6[%mul3A_152, %dma_wait3A_154] : memref<100000x256xf32, #tpu.memory_space<hbm>> -> memref<64x256xf32, #tpu.memory_space<hbm>>
        tpu.wait_dma2 semaphore(%arg28 : memref<!tpu.dma_semaphore, #tpu.memory_space<semaphore_mem>>) src(%arg16 : memref<64x256xf32, #tpu.memory_space<vmem>>) dst(%dma_wait3A_155 : memref<64x256xf32, #tpu.memory_space<hbm>>)
      } else {
      }
      %eq3A_146 = arith.constant 1562 : i32
      %eq3A_147 = arith.cmpi eq, %add3A_140, %eq3A_146 : i32
      %convert_element_type3A_148 = arith.extui %eq3A_147 : i1 to i32
      %cond3A_149 = arith.constant 0 : i32
      %cond3A_150 = arith.cmpi ne, %convert_element_type3A_148, %cond3A_149 : i32
      scf.if %cond3A_150 {
        %dma_wait3A = arith.constant 0 : i32
        %dma_wait3A_151 = arith.constant 0 : i32
        %dma_wait3A_152 = tpu.memref_slice %arg16[%dma_wait3A, %dma_wait3A_151] : memref<64x256xf32, #tpu.memory_space<vmem>> -> memref<32x256xf32, #tpu.memory_space<vmem>>
        %dma_wait3A_153 = arith.constant 99968 : i32
        %dma_wait3A_154 = arith.constant 0 : i32
        %dma_wait3A_155 = tpu.memref_slice %arg6[%dma_wait3A_153, %dma_wait3A_154] : memref<100000x256xf32, #tpu.memory_space<hbm>> -> memref<32x256xf32, #tpu.memory_space<hbm>>
        %dma_wait3A_156 = arith.constant 99968 : i32
        %dma_wait3A_157 = arith.constant 0 : i32
        %dma_wait3A_158 = tpu.memref_slice %arg6[%dma_wait3A_156, %dma_wait3A_157] : memref<100000x256xf32, #tpu.memory_space<hbm>> -> memref<32x256xf32, #tpu.memory_space<hbm>>
        %dma_wait3A_159 = arith.constant 0 : i32
        %dma_wait3A_160 = arith.constant 0 : i32
        %dma_wait3A_161 = tpu.memref_slice %arg16[%dma_wait3A_159, %dma_wait3A_160] : memref<64x256xf32, #tpu.memory_space<vmem>> -> memref<32x256xf32, #tpu.memory_space<vmem>>
        tpu.wait_dma2 semaphore(%arg28 : memref<!tpu.dma_semaphore, #tpu.memory_space<semaphore_mem>>) src(%dma_wait3A_161 : memref<32x256xf32, #tpu.memory_space<vmem>>) dst(%dma_wait3A_158 : memref<32x256xf32, #tpu.memory_space<hbm>>)
      } else {
      }
    } else {
    }
    return
  }
}

</mosaic_0001>

<sc_bundles>
// kernel: kernel.3.cloned.1.call-start
scs
__scs_entry_jumppad:
0x0: {  	(pc) =	sbr.rel $0x88, $3  }
0x1: {  	(tag) =	ssettag $0x0;
	lr =	simm.s32 $0x1  }
0x2: {  	[smem:$0x3F9E] =	sst lr;
	_ =	strace $0xD0000000  }
0x3: {  	_ = 	snop  }
0x4: {  	_ = 	snop  }
0x5: {  	_ = 	snop  }
0x6: {  	_ = 	snop  }
0x7: {  	_ = 	snop  }
__scs_overlays_trampoline_lowered:
0x8: {  	[smem:$0x3FAD] =	sst s0  }
0x9: {  	[smem:$0x3FAE] =	sst s1  }
0xa: {  	[smem:$0x3FAF] =	sst s2  }
0xb: {  	[smem:$0x3FB0] =	sst s3  }
0xc: {  	[smem:$0x3FB1] =	sst s4  }
0xd: {  	[smem:$0x3FB2] =	sst s5  }
0xe: {  	[smem:$0x3FB3] =	sst s6  }
0xf: {  	[smem:$0x3FB4] =	sst s7  }
0x10: {  	[smem:$0x3FB5] =	sst s8  }
0x11: {  	[smem:$0x3FB6] =	sst s9;
	s0 =	simm.s32 @!p0 $0x0  }
0x12: {  	s1 =	sld [smem:$0x3F9C];
	s0 =	simm.s32 @p0 $0x1  }
0x13: {  	[smem:$0x3FB7] =	sst s0;
	s0 =	simm.s32 @!p1 $0x0  }
0x14: {  	s2 =	sld [smem:$0x3F9B];
	s0 =	simm.s32 @p1 $0x1  }
0x15: {  	[smem:$0x3FB8] =	sst s0;
	s0 =	simm.s32 @!p2 $0x0  }
0x16: {  	s3 =	sld [smem:$0x3FDB];
	s0 =	simm.s32 @p2 $0x1  }
0x17: {  	s4 =	simm.s32 $0x1BF5;
	[smem:$0x3FBA] =	sst s0  }
0x18: {  	s0 =	sld [smem:$0x3F9D];
	_ =	swait.ge [sflag:s4], $0x0  }
0x19: {  	s7 =	sld [smem:$0x3F9E]  }
0x1a: {  	s8 =	sadd.s32 $0xFFFFE003, lr  }
0x1b: {  	s9 =	sadd.s32 $0xFFFFFEF7, lr;
	s5 =	simm.s32 $0xFFFFFFFF;
	p2 =	slt.u32 s8, $0xFFFFF086  }
0x1c: {  	p1 =	slt.u32 s9, $0xF7A;
	s5 =	simm.s32 @!p2 $0x0  }
0x1d: {  	s5 =	simm.s32 @p1 $0x1;
	p0 =	seq.s32 s7, s2  }
0x1e: {  	s7 =	smul.u32 @!p0 $0xF7A, s2;
	p2 =	seq.s32 @!p0 s5, $0x0  }
0x1f: {  	s9 =	smul.u32 $0xF7A, s1;
	s8 =	simm.s32 @!p0 $0x1BF5;
	p2 =	por !p2, p0  }
0x20: {  	[sflag:s8] =	ssyncset.s32 @!p0 $0xFFFFF086;
	s6 =	sadd.s32 @!p0 s3, s7;
	s7 =	simm.s32 @!p0 $0x108  }
0x21: {  	s3 =	sadd.s32 s3, s9;
	s6 =	sadd.s32 @!p0 $0x88, s6;
	s7 =	simm.s32 @p2 $0x1082  }
0x22: {  	[simem:s7], [sflag:s8] =	dma.local @!p0 [hbm:s6], $0xF7A  }
0x23: {  	s9 =	sor.u32 $0xD0000000, s2;
	s6 =	simm.s32 $0x108;
	_ =	swait.ge @!p0 [sflag:s8], $0x0  }
0x24: {  	s3 =	sadd.s32 $0x88, s3;
	s6 =	simm.s32 @!p1 $0x1082;
	[sflag:s4] =	ssyncset.s32 $0xFFFFF086  }
0x25: {  	[simem:s6], [sflag:s4] =	dma.local [hbm:s3], $0xF7A  }
0x26: {  	[smem:$0x3F9E] =	sst s1;
	(tag) =	ssettag s2;
	_ =	strace s9  }
0x27: {  	s1 =	sld [smem:$0x3FAE]  }
0x28: {  	s2 =	sld [smem:$0x3FAF]  }
0x29: {  	s4 =	sld [smem:$0x3FB1]  }
0x2a: {  	p0 =	seq.s32 s5, $0x0;
	s5 =	sld [smem:$0x3FB2]  }
0x2b: {  	s6 =	sld [smem:$0x3FB3]  }
0x2c: {  	s7 =	sld [smem:$0x3FB4]  }
0x2d: {  	s3 =	simm.s32 $0x108;
	s8 =	sld [smem:$0x3FB5]  }
0x2e: {  	s3 =	simm.s32 @!p0 $0x1082;
	s9 =	sld [smem:$0x3FB6]  }
0x2f: {  	lr =	sadd.s32 s0, s3;
	s0 =	sld [smem:$0x3FAD]  }
0x30: {  	s3 =	sld [smem:$0x3FB0]  }
0x31: {  	[smem:$0x3FB9] =	sst s10  }
0x32: {  	s10 =	sld [smem:$0x3FB7];
	_ =	sdelay $0x3  }
0x33: {  	p0 =	seq.s32 s10, $0x1;
	s10 =	sld [smem:$0x3FB9];
	_ =	sdelay $0x3  }
0x34: {  	[smem:$0x3FB9] =	sst s10  }
0x35: {  	s10 =	sld [smem:$0x3FB8];
	_ =	sdelay $0x3  }
0x36: {  	p1 =	seq.s32 s10, $0x1;
	s10 =	sld [smem:$0x3FB9];
	_ =	sdelay $0x3  }
0x37: {  	[smem:$0x3FB9] =	sst s10  }
0x38: {  	s10 =	sld [smem:$0x3FBA]  }
0x39: {  	_ = 	snop;
	(pc) =	sbr.ind lr, $3  }
0x3a: {  	_ = 	snop  }
0x3b: {  	_ = 	snop  }
0x3c: {  	p2 =	seq.s32 s10, $0x1;
	s10 =	sld [smem:$0x3FB9]  }
0x3d: {  	_ =	shalt  }
0x3e: {  	_ =	shalt  }
0x3f: {  	_ =	shalt  }
0x40: {  	_ =	shalt  }
0x41: {  	_ =	shalt  }
0x42: {  	_ =	shalt  }
0x43: {  	_ =	shalt  }
0x44: {  	_ =	shalt  }
0x45: {  	_ =	shalt  }
0x46: {  	_ =	shalt  }
0x47: {  	_ =	shalt  }
0x48: {  	_ =	shalt  }
0x49: {  	_ =	shalt  }
0x4a: {  	_ =	shalt  }
0x4b: {  	_ =	shalt  }
0x4c: {  	_ =	shalt  }
0x4d: {  	_ =	shalt  }
0x4e: {  	_ =	shalt  }
0x4f: {  	_ =	shalt  }
0x50: {  	_ =	shalt  }
0x51: {  	_ =	shalt  }
0x52: {  	_ =	shalt  }
0x53: {  	_ =	shalt  }
0x54: {  	_ =	shalt  }
0x55: {  	_ =	shalt  }
0x56: {  	_ =	shalt  }
0x57: {  	_ =	shalt  }
0x58: {  	_ =	shalt  }
0x59: {  	_ =	shalt  }
0x5a: {  	_ =	shalt  }
0x5b: {  	_ =	shalt  }
0x5c: {  	_ =	shalt  }
0x5d: {  	_ =	shalt  }
0x5e: {  	_ =	shalt  }
0x5f: {  	_ =	shalt  }
0x60: {  	_ =	shalt  }
0x61: {  	_ =	shalt  }
0x62: {  	_ =	shalt  }
0x63: {  	_ =	shalt  }
0x64: {  	_ =	shalt  }
0x65: {  	_ =	shalt  }
0x66: {  	_ =	shalt  }
0x67: {  	_ =	shalt  }
0x68: {  	_ =	shalt  }
0x69: {  	_ =	shalt  }
0x6a: {  	_ =	shalt  }
0x6b: {  	_ =	shalt  }
0x6c: {  	_ =	shalt  }
0x6d: {  	_ =	shalt  }
0x6e: {  	_ =	shalt  }
0x6f: {  	_ =	shalt  }
0x70: {  	_ =	shalt  }
0x71: {  	_ =	shalt  }
0x72: {  	_ =	shalt  }
0x73: {  	_ =	shalt  }
0x74: {  	_ =	shalt  }
0x75: {  	_ =	shalt  }
0x76: {  	_ =	shalt  }
0x77: {  	_ =	shalt  }
0x78: {  	_ =	shalt  }
0x79: {  	_ =	shalt  }
0x7a: {  	_ =	shalt  }
0x7b: {  	_ =	shalt  }
0x7c: {  	_ =	shalt  }
0x7d: {  	_ =	shalt  }
0x7e: {  	_ =	shalt  }
0x7f: {  	_ =	shalt  }
0x80: {  	_ =	shalt  }
0x81: {  	_ =	shalt  }
0x82: {  	_ =	shalt  }
0x83: {  	_ =	shalt  }
0x84: {  	_ =	shalt  }
0x85: {  	_ =	shalt  }
0x86: {  	_ =	shalt  }
0x87: {  	_ =	shalt  }
.Lfunc_end0:
.L_simem_size_0:
called_computation_lowered:
.L_overlay_start_0:
0x88: {  	s2 =	sld [smem:$0x3FD9]  }
0x89: {  	s3 =	sld [smem:$0x3FFE];
	_ =	sdelay $0x1  }
0x8a: {  	s1 =	srdreg.scid  }
0x8b: {  	s0 =	sand.u32 $0x1, s1  }
0x8c: {  	s14 =	sshll.u32 s0, $0xA;
	s2 =	sadd.s32 s3, s2  }
0x8d: {  	s2 =	sadd.s32 s2, s14  }
0x8e: {  	[smem:$0x3FC5] =	sst s2  }
0x8f: {  	_ = 	snop  }
0x90: {  	s2 =	sld [smem:$0x3FD0];
	_ =	sdelay $0x2  }
0x91: {  	s4 =	simm.s32 $0xA;
	s5 =	simm.s32 $0x10;
	s15 =	sld [smem:$0x3FC9]  }
0x92: {  	[smem:s5], [sflag:s4] =	dma.local [hbm:s2], $0x1  }
0x93: {  	_ =	swait.eq [sflag:s4], $0x1  }
0x94: {  	[sflag:s4] =	ssyncset.done $0x0  }
0x95: {  	s16 =	sld [smem:$0x10];
	[sflag:s4] =	ssyncadd.s32 $0xFFFFFFFF  }
0x96: {  	s17 =	sld [smem:$0x11];
	(tm) =	ssettm $0x1  }
0x97: {  	s18 =	sld [smem:$0x3FFB];
	_ =	sdelay $0x3  }
0x98: {  	_ =	strace s18  }
0x99: {  	s5 =	sld [smem:$0x3FFC];
	_ =	sdelay $0x3  }
0x9a: {  	_ =	strace s5  }
0x9b: {  	s5 =	sld [smem:$0x3FFD];
	_ =	sdelay $0x3  }
0x9c: {  	_ =	strace s5  }
0x9d: {  	_ =	strace $0x8FFFFFFF  }
0x9e: {  	s19 =	sld [smem:$0x3FDB];
	_ =	sdelay $0x1  }
0x9f: {  	s6 =	simm.s32 $_scs_section_size  }
0xa0: {  	s7 =	simm.s32 $_size__tile_overlayer_lowered;
	s8 =	simm.s32 $_tile_overlayer_lowered  }
0xa1: {  	s22 =	simm.s32 $0x1BFF;
	s21 =	sshll.u32 s8, $0x1;
	s5 =	sadd.s32 s6, s19  }
0xa2: {  	s9 =	simm.s32 $0x0;
	s20 =	sshll.u32 s7, $0x1;
	s7 =	sadd.s32 s21, s5  }
0xa3: {  	[timem:s9], [sflag:s22] =	dma.local [hbm:s7], s20  }
0xa4: {  	_ =	swait.ge [sflag:s22], s20  }
0xa5: {  	s6 =	ssub.s32 $0x0, s20;
	[sflag:s22] =	ssyncset.done $0x0  }
0xa6: {  	[sflag:s22] =	ssyncadd.s32 s6;
	_ =	sdelay $0x1  }
0xa7: {  	s23 =	simm.s32 $0x1B8B  }
0xa8: {  	_ =	swait.ge [sflag:s23], $0x1  }
0xa9: {  	[sflag:s23] =	ssyncset.done $0x0  }
0xaa: {  	s25 =	simm.s32 $0x1B8E;
	s24 =	sld [smem:$0x3FFE];
	[sflag:s23] =	ssyncadd.s32 $0xFFFFFFFF  }
0xab: {  	s26 =	simm.s32 $execute0_lowered;
	[smem:$0x3FD2] =	sst s25  }
0xac: {  	s7 =	sshll.u32 s26, $0x1;
	_ =	strace $0x80000046;
	[dreg:$0x1] =	wrdreg $0xFFFFFFFF  }
0xad: {  	s28 =	simm.s32 $_size_execute0_lowered;
	s5 =	sadd.s32 s5, s7;
	[dreg:$0x0] =	wrdreg $0x0  }
0xae: {  	s7 =	sshll.u32 s28, $0x1;
	[dreg:$0x2] =	wrdreg s5  }
0xaf: {  	[dreg:$0x3] =	wrdreg s7  }
0xb0: {  	[dreg:$0x4] =	wrdreg $0xC0  }
0xb1: {  	_ =	task [dreg:s9], $0x5FFFF  }
0xb2: {  	[dreg:$0x1] =	wrdreg $0xFFFFFFFF  }
0xb3: {  	[dreg:$0x0] =	wrdreg $0x60  }
0xb4: {  	[dreg:$0x2] =	wrdreg s15  }
0xb5: {  	[dreg:$0x3] =	wrdreg s24  }
0xb6: {  	[dreg:$0x4] =	wrdreg s16  }
0xb7: {  	[dreg:$0x5] =	wrdreg s17  }
0xb8: {  	[dreg:$0x6] =	wrdreg $0x9  }
0xb9: {  	_ =	task.clear_ibuf [dreg:s9], $0x7FFFF;
	_ =	strace $0x90000046  }
0xba: {  	s29 =	simm.s32 $0x9;
	_ =	strace $0x80000048  }
0xbb: {  	_ =	swait.ge [sflag:s29], $0x1  }
0xbc: {  	[sflag:s29] =	ssyncadd.s32 $0xFFFFFFFF  }
0xbd: {  	_ =	strace $0x90000048  }
0xbe: {  	_ =	sfence  }
0xbf: {  	s30 =	sld [smem:$0x0];
	_ =	sdelay $0x2  }
0xc0: {  	s31 =	sshll.u32 s1, $0xD;
	s1 =	sshrl.u32 s1, $0x2  }
0xc1: {  	s3 =	sand.u32 $0x4000, s31;
	s1 =	sadd.s32 s1, s30  }
0xc2: {  	s0 =	sor.u32 s3, s0;
	s1 =	sshll.u32 s1, $0x11  }
0xc3: {  	s0 =	sor.u32 s1, s0  }
0xc4: {  	s0 =	sadd.s32 $0x8F2B, s0  }
0xc5: {  	[sflag:s0] =	ssyncadd.remote.s32 $0x1  }
0xc6: {  	_ =	sfence.sel $0xFFFF  }
0xc7: {  	[dreg:$0x0] =	wrdreg $0xFFFFFFFF;
	(pc) =	sbr.abs _section_cstart, $3  }
0xc8: {  	[dreg:$0x1] =	wrdreg $0xFFFFFFFF  }
0xc9: {  	_ =	task.clear_ibuf [dreg:s9], $0x2FFFF;
	_ =	strace $0x9FFFFFFF  }
0xca: {  	(tm) =	ssettm $0x7FFFFFFF  }
0xcb: {  	_ =	shalt  }
tec
execute0_lowered:
.L_overlay_start_1:
0x0: {  	(tag) =	ssettag $0x1  }
0x1: {  	s1 =	rddreg [dreg:$0x0]  }
0x2: {  	s0 =	rddreg [dreg:$0x1]  }
0x3: {  	s2 =	rddreg [dreg:$0x2]  }
0x4: {  	s3 =	rddreg [dreg:$0x3]  }
0x5: {  	s5 =	simm.s32 $0x0;
	s4 =	srdreg.scid;
	s11 =	stileid.u32  }
0x6: {  	s18 =	simm.s32 $0x11200;
	s19 =	simm.s32 $0x11A00;
	s20 =	simm.s32 $0x12200  }
0x7: {  	s21 =	simm.s32 $0x12A00;
	s22 =	simm.s32 $0xF600;
	s28 =	simm.s32 $0x11E00  }
0x8: {  	s29 =	simm.s32 $0x12600;
	s30 =	simm.s32 $0x12E00;
	s31 =	simm.s32 $0x3  }
0x9: {  	[smem:$0x7FF] =	sst s5;
	s4 =	sand.u32 $0x1, s4;
	s7 =	smul.u32 $0x31, s11  }
0xa: {  	s8 =	sadd.s32 $0x600, s0;
	s0 =	sadd.s32 $0x6800, s0;
	p1 =	seq.s32 s11, $0xF  }
0xb: {  	s11 =	sadd.s32 $0x30D000, s2;
	s12 =	sadd.s32 $0x30D000, s3;
	_ =	strace $0x80000047  }
0xc: {  	s9 =	ssub.s32 $0x2, s4;
	p0 =	seq.s32 s4, $0x0;
	s6 =	sadd.s32 $0x310, s7  }
0xd: {  	p6 =	seq.s32 s4, $0x1;
	s10 =	sshrl.u32 s9, $0x1;
	s6 =	smov.u32 @p0 s7  }
0xe: {  	s23 =	ssub.s32 s9, s10;
	p0 =	por !p1, !p6;
	s7 =	sshll.u32 s6, $0x3  }
0xf: {  	p0 =	por !p0, !p0;
	s26 =	sshll.u32 s6, $0xB;
	s4 =	smax.u32 s23, $0x1  }
0x10: {  	p2 =	slt.u32 s6, $0x5EB;
	p5 =	seq.s32 s6, $0x5EC;
	s23 =	simm.s32 $0xFE00  }
0x11: {  	s9 =	simm.s32 @!p0 $0x0;
	s24 =	sadd.s32 s8, s7;
	[dreg:$0x9] =	wrdreg s4  }
0x12: {  	s25 =	sadd.s32 $0x30D4, s7;
	s7 =	sadd.s32 s0, s7;
	[dreg:$0x5] =	wrdreg s24  }
0x13: {  	s9 =	simm.s32 @p0 $0x1;
	[dreg:$0x7] =	wrdreg s7;
	s0 =	sadd.s32 s0, s25  }
0x14: {  	p0 =	slt.u32 s6, $0x5EA;
	[dreg:$0x8] =	wrdreg s0;
	s0 =	sadd.s32 $0xFFFFE800, s26  }
0x15: {  	s8 =	sadd.s32 s8, s25;
	[dreg:$0xa] =	wrdreg s0;
	s0 =	simm.s32 @!p0 $0x0  }
0x16: {  	s24 =	simm.s32 $0x10600;
	s0 =	simm.s32 @p0 $0x1;
	p0 =	seq.s32 s6, $0x5EA  }
.Ltmp0:
0x17: {  	[smem:$0x7FB] =	sst s0;
	s0 =	simm.s32 @!p0 $0x0;
	(pc) =	sbr.rel .LBB2_1-.Ltmp0, $4  }
0x18: {  	[smem:$0x7FA] =	sst s9;
	s0 =	simm.s32 @p0 $0x1;
	p0 =	slt.u32 s6, $0x5EC  }
0x19: {  	v3 =	vlaneseq.u32;
	s25 =	simm.s32 $0x10E00;
	[smem:$0x7FC] =	sst s0;
	s0 =	simm.s32 @!p0 $0x0  }
0x1a: {  	v0 =	vimm.s32 $0x0;
	vm0 =	vmmov $0xff;
	v2 =	vshrl.u32 v3, $0x3;
	s7 =	simm.s32 $0x0;
	[dreg:$0x6] =	wrdreg s8;
	s0 =	simm.s32 @p0 $0x1  }
0x1b: {  	v1 =	vand.u32 $0x7, v3;
	v3 =	vor.u32 $0x8, v3;
	v2 =	vmul.u32 $0x8, v2;
	s26 =	simm.s32 $0x11600;
	[smem:$0x7FD] =	sst s0;
	s0 =	simm.s32 $0x6  }
.LBB2_22:
0x1c: {  	s4 =	simm.s32 $0x7  }
0x1d: {  	_ =	swait.ge [sflag:s4], $0x4000  }
0x1e: {  	[sflag:s4] =	ssyncset.done $0x0  }
0x1f: {  	s17 =	simm.s32 $0xA;
	[sflag:s4] =	ssyncadd.s32 $0xFFFFC000  }
0x20: {  	_ =	swait.ge [sflag:s17], $0x4000  }
0x21: {  	[sflag:s17] =	ssyncset.done $0x0  }
0x22: {  	s7 =	rddreg [dreg:$0xb];
	[sflag:s17] =	ssyncadd.s32 $0xFFFFC000  }
.LBB2_23:
0x23: {  	s4 =	simm.s32 $0x8  }
0x24: {  	_ =	swait.ge [sflag:s4], $0x4000  }
0x25: {  	[sflag:s4] =	ssyncset.done $0x0  }
0x26: {  	s17 =	simm.s32 $0xB;
	[sflag:s4] =	ssyncadd.s32 $0xFFFFC000  }
0x27: {  	_ =	swait.ge [sflag:s17], $0x4000  }
0x28: {  	[sflag:s17] =	ssyncset.done $0x0  }
0x29: {  	s4 =	simm.s32 @p2 $0x9;
	[sflag:s17] =	ssyncadd.s32 $0xFFFFC000  }
0x2a: {  	_ =	swait.ge @p2 [sflag:s4], $0x4000  }
0x2b: {  	[sflag:s4] =	ssyncset.done @p2 $0x0  }
0x2c: {  	[sflag:s4] =	ssyncadd.s32 @p2 $0xFFFFC000;
	s4 =	simm.s32 @p2 $0xC  }
0x2d: {  	_ =	swait.ge @p2 [sflag:s4], $0x4000  }
0x2e: {  	[sflag:s4] =	ssyncset.done @p2 $0x0  }
0x2f: {  	[sflag:s4] =	ssyncadd.s32 @p2 $0xFFFFC000;
	s4 =	simm.s32 @!p2 $0x9  }
0x30: {  	_ =	swait.ge @!p2 [sflag:s4], $0x2000  }
0x31: {  	[sflag:s4] =	ssyncset.done @!p2 $0x0  }
0x32: {  	[sflag:s4] =	ssyncadd.s32 @!p2 $0xFFFFE000;
	s4 =	simm.s32 @!p2 $0xC  }
0x33: {  	_ =	swait.ge @!p2 [sflag:s4], $0x2000  }
0x34: {  	[sflag:s4] =	ssyncset.done @!p2 $0x0  }
0x35: {  	[sflag:s4] =	ssyncadd.s32 @!p2 $0xFFFFE000  }
.LBB2_24:
0x36: {  	s7 =	sadd.s32 $0x1, s7;
	s4 =	rddreg [dreg:$0x9]  }
0x37: {  	p0 =	sne.s32 s7, s4  }
.Ltmp1:
0x38: {  	_ = 	snop;
	(pc) =	sbr.rel @!p0 .LBB2_25-.Ltmp1, $1  }
0x39: {  	_ =	sdelay $0x3  }
.LBB2_1:
0x3a: {  	s17 =	sld [smem:$0x7FA];
	_ =	sdelay $0x2  }
0x3b: {  	p0 =	seq.s32 s17, $0x1  }
.Ltmp2:
0x3c: {  	_ = 	snop;
	(pc) =	sbr.rel @!p0 .LBB2_3-.Ltmp2, $4  }
0x3d: {  	_ = 	snop  }
0x3e: {  	[dreg:$0xb] =	wrdreg s7  }
0x3f: {  	s4 =	rddreg [dreg:$0x5]  }
0x40: {  	[tilespmem:s5], [sflag:$0x1] =	stream.linear.gather [hbm4b:s4+s5], $0xC40, $0x38;
	[tilespmem:$0x1B200] =	vst v63  }
0x41: {  	s4 =	rddreg [dreg:$0x6];
	s7 =	simm.s32 $0xC80  }
0x42: {  	[tilespmem:s7], [sflag:$0x2] =	stream.linear.gather [hbm4b:s4+s5], $0xAE0, $0x38;
	[tilespmem:$0x1B200] =	vst v63  }
0x43: {  	s8 =	rddreg [dreg:$0x7];
	s9 =	simm.s32 $0x1900  }
0x44: {  	[tilespmem:s9], [sflag:$0x4] =	stream.linear.gather [hbm4b:s8+s5], $0xC40, $0x38;
	[tilespmem:$0x1B200] =	vst v63  }
0x45: {  	s10 =	rddreg [dreg:$0x8];
	s13 =	simm.s32 $0x2580;
	s14 =	simm.s32 $0x1  }
0x46: {  	[tilespmem:s13], [sflag:$0x5] =	stream.linear.gather [hbm4b:s10+s5], $0xAE0, $0x38;
	[tilespmem:$0x1B200] =	vst v63  }
0x47: {  	_ =	swait.ge [sflag:s14], $0xC40  }
0x48: {  	[sflag:s14] =	ssyncset.done $0x0  }
0x49: {  	s15 =	simm.s32 $0x2;
	[sflag:s14] =	ssyncadd.s32 $0xFFFFF3C0  }
0x4a: {  	_ =	swait.ge [sflag:s15], $0xAE0  }
0x4b: {  	[sflag:s15] =	ssyncset.done $0x0  }
0x4c: {  	s16 =	simm.s32 $0x4;
	[sflag:s15] =	ssyncadd.s32 $0xFFFFF520  }
0x4d: {  	_ =	swait.ge [sflag:s16], $0xC40  }
0x4e: {  	[sflag:s16] =	ssyncset.done $0x0  }
0x4f: {  	s17 =	simm.s32 $0x5;
	[sflag:s16] =	ssyncadd.s32 $0xFFFFF3C0  }
0x50: {  	_ =	swait.ge [sflag:s17], $0xAE0  }
0x51: {  	[sflag:s17] =	ssyncset.done $0x0  }
0x52: {  	[sflag:s17] =	ssyncadd.s32 $0xFFFFF520  }
0x53: {  	[tilespmem:$0x1760] =	vst v0  }
0x54: {  	[tilespmem:$0x1770] =	vst v0  }
0x55: {  	[tilespmem:$0x1780] =	vst v0  }
0x56: {  	[tilespmem:$0x1790] =	vst v0  }
0x57: {  	[tilespmem:$0x17A0] =	vst v0  }
0x58: {  	[tilespmem:$0x17B0] =	vst v0  }
0x59: {  	[tilespmem:$0x17C0] =	vst v0  }
0x5a: {  	[tilespmem:$0x17D0] =	vst v0  }
0x5b: {  	[tilespmem:$0x17E0] =	vst v0  }
0x5c: {  	[tilespmem:$0x17F0] =	vst v0  }
0x5d: {  	[tilespmem:$0x1800] =	vst v0  }
0x5e: {  	[tilespmem:$0x1810] =	vst v0  }
0x5f: {  	[tilespmem:$0x1820] =	vst v0  }
0x60: {  	[tilespmem:$0x1830] =	vst v0  }
0x61: {  	[tilespmem:$0x1840] =	vst v0  }
0x62: {  	[tilespmem:$0x1850] =	vst v0  }
0x63: {  	[tilespmem:$0x1860] =	vst v0  }
0x64: {  	[tilespmem:$0x1870] =	vst v0  }
0x65: {  	[tilespmem:$0x1880] =	vst v0  }
0x66: {  	[tilespmem:$0x1890] =	vst v0  }
0x67: {  	[tilespmem:$0x18A0] =	vst v0  }
0x68: {  	[tilespmem:$0x18B0] =	vst v0  }
0x69: {  	[tilespmem:$0x3060] =	vst v0  }
0x6a: {  	[tilespmem:$0x3070] =	vst v0  }
0x6b: {  	[tilespmem:$0x3080] =	vst v0  }
0x6c: {  	[tilespmem:$0x3090] =	vst v0  }
0x6d: {  	[tilespmem:$0x30A0] =	vst v0  }
0x6e: {  	[tilespmem:$0x30B0] =	vst v0  }
0x6f: {  	[tilespmem:$0x30C0] =	vst v0  }
0x70: {  	[tilespmem:$0x30D0] =	vst v0  }
0x71: {  	[tilespmem:$0x30E0] =	vst v0  }
0x72: {  	[tilespmem:$0x30F0] =	vst v0  }
0x73: {  	[tilespmem:$0x3100] =	vst v0  }
0x74: {  	[tilespmem:$0x3110] =	vst v0  }
0x75: {  	[tilespmem:$0x3120] =	vst v0  }
0x76: {  	[tilespmem:$0x3130] =	vst v0  }
0x77: {  	[tilespmem:$0x3140] =	vst v0  }
0x78: {  	[tilespmem:$0x3150] =	vst v0  }
0x79: {  	[tilespmem:$0x3160] =	vst v0  }
.Ltmp3:
0x7a: {  	[tilespmem:$0x3170] =	vst v0;
	(pc) =	sbr.rel .LBB2_4-.Ltmp3, $4  }
0x7b: {  	[tilespmem:$0x3180] =	vst v0  }
0x7c: {  	[tilespmem:$0x3190] =	vst v0  }
0x7d: {  	[tilespmem:$0x31A0] =	vst v0  }
0x7e: {  	[tilespmem:$0x31B0] =	vst v0  }
.LBB2_3:
0x7f: {  	s4 =	rddreg [dreg:$0x6];
	s7 =	simm.s32 $0xC80  }
0x80: {  	[tilespmem:s7], [sflag:$0x2] =	stream.linear.gather [hbm4b:s4+s5], $0xC40, $0x38;
	[tilespmem:$0x1B200] =	vst v63  }
0x81: {  	s8 =	rddreg [dreg:$0x7];
	s9 =	simm.s32 $0x1900  }
0x82: {  	[tilespmem:s9], [sflag:$0x4] =	stream.linear.gather [hbm4b:s8+s5], $0xC40, $0x38;
	[tilespmem:$0x1B200] =	vst v63  }
0x83: {  	s10 =	rddreg [dreg:$0x8];
	s13 =	simm.s32 $0x2580;
	s14 =	simm.s32 $0x1  }
0x84: {  	[tilespmem:s13], [sflag:$0x5] =	stream.linear.gather [hbm4b:s10+s5], $0xC40, $0x38;
	[tilespmem:$0x1B200] =	vst v63  }
0x85: {  	_ =	swait.ge [sflag:s14], $0xC40  }
0x86: {  	[sflag:s14] =	ssyncset.done $0x0  }
0x87: {  	s15 =	simm.s32 $0x2;
	[sflag:s14] =	ssyncadd.s32 $0xFFFFF3C0  }
0x88: {  	_ =	swait.ge [sflag:s15], $0xC40  }
0x89: {  	[sflag:s15] =	ssyncset.done $0x0  }
0x8a: {  	s16 =	simm.s32 $0x4;
	[sflag:s15] =	ssyncadd.s32 $0xFFFFF3C0  }
0x8b: {  	_ =	swait.ge [sflag:s16], $0xC40  }
0x8c: {  	[sflag:s16] =	ssyncset.done $0x0  }
0x8d: {  	s17 =	simm.s32 $0x5;
	[sflag:s16] =	ssyncadd.s32 $0xFFFFF3C0  }
0x8e: {  	_ =	swait.ge [sflag:s17], $0xC40  }
0x8f: {  	[sflag:s17] =	ssyncset.done $0x0  }
0x90: {  	[sflag:s17] =	ssyncadd.s32 $0xFFFFF3C0  }
.LBB2_4:
.Ltmp4:
0x91: {  	(pc) =	sbr.rel .LBB2_5-.Ltmp4, $3  }
0x92: {  	_ =	sdelay $0x1  }
0x93: {  	s4 =	simm.s32 $0x0  }
0x94: {  	s15 =	rddreg [dreg:$0xa];
	s16 =	simm.s32 $0x0;
	s17 =	simm.s32 $0x0  }
.LBB2_15:
0x95: {  	s9 =	sadd.s32 @!p6 $0xFFFFFFFF, s8  }
0x96: {  	p0 =	slt.s32 @!p6 s9, $0x61A  }
0x97: {  	p1 =	por !p0, p6  }
0x98: {  	s9 =	simm.s32 @!p1 $0x9  }
0x99: {  	_ =	swait.ge @!p1 [sflag:s9], $0x4000  }
0x9a: {  	s8 =	sadd.s32 @!p6 $0xFFFFF9E5, s8;
	p3 =	por p0, p6;
	[sflag:s9] =	ssyncset.done @!p1 $0x0  }
0x9b: {  	p3 =	seq.s32 @!p3 s8, $0x0;
	s8 =	simm.s32 @!p1 $0xC;
	[sflag:s9] =	ssyncadd.s32 @!p1 $0xFFFFC000  }
0x9c: {  	p0 =	por @!p6 !p3, p0;
	_ =	swait.ge @!p1 [sflag:s8], $0x4000  }
0x9d: {  	p0 =	por p0, p6;
	[sflag:s8] =	ssyncset.done @!p1 $0x0  }
0x9e: {  	[sflag:s8] =	ssyncadd.s32 @!p1 $0xFFFFC000;
	s8 =	simm.s32 @!p0 $0x9  }
0x9f: {  	_ =	swait.ge @!p0 [sflag:s8], $0x2000  }
0xa0: {  	[sflag:s8] =	ssyncset.done @!p0 $0x0  }
0xa1: {  	[sflag:s8] =	ssyncadd.s32 @!p0 $0xFFFFE000;
	s8 =	simm.s32 @!p0 $0xC  }
0xa2: {  	_ =	swait.ge @!p0 [sflag:s8], $0x2000  }
0xa3: {  	[sflag:s8] =	ssyncset.done @!p0 $0x0  }
0xa4: {  	[sflag:s8] =	ssyncadd.s32 @!p0 $0xFFFFE000  }
0xa5: {  	v4 =	vld [tilespmem:s7+$0x80];
	_ =	sdelay $0x4  }
0xa6: {  	v5 =	vperm.xlane v4, v1;
	_ =	sdelay $0x1  }
0xa7: {  	v4 =	vperm.xlane v4, v3;
	v5 =	vadd.s32 v2, v5;
	_ =	sdelay $0x1  }
0xa8: {  	v4 =	vadd.s32 v2, v4;
	_ =	sdelay $0x1  }
0xa9: {  	s9 =	simm.s32 $0xB200  }
0xaa: {  	[tilespmem:s9], [sflag:$0x3] =	stream.indirect_vreg.gather [hbm4b:s1+s5], $0x80, v5, vm0, $0xb8;
	[tilespmem:$0x1B200] =	vst v63  }
0xab: {  	s10 =	simm.s32 $0xBA00  }
0xac: {  	[tilespmem:s10], [sflag:$0x3] =	stream.indirect_vreg.gather [hbm4b:s1+s5], $0x80, v4, vm0, $0xb8;
	[tilespmem:$0x1B200] =	vst v63  }
0xad: {  	v4 =	vld [tilespmem:s7+$0x90];
	_ =	sdelay $0x4  }
0xae: {  	v5 =	vperm.xlane v4, v1;
	_ =	sdelay $0x1  }
0xaf: {  	v4 =	vperm.xlane v4, v3;
	v5 =	vadd.s32 v2, v5;
	_ =	sdelay $0x1  }
0xb0: {  	v4 =	vadd.s32 v2, v4;
	_ =	sdelay $0x1  }
0xb1: {  	s13 =	simm.s32 $0xC200  }
0xb2: {  	[tilespmem:s13], [sflag:$0x3] =	stream.indirect_vreg.gather [hbm4b:s1+s5], $0x80, v5, vm0, $0xb8;
	[tilespmem:$0x1B200] =	vst v63  }
0xb3: {  	s14 =	simm.s32 $0xCA00  }
0xb4: {  	[tilespmem:s14], [sflag:$0x3] =	stream.indirect_vreg.gather [hbm4b:s1+s5], $0x80, v4, vm0, $0xb8;
	[tilespmem:$0x1B200] =	vst v63  }
0xb5: {  	v4 =	vld [tilespmem:s7+$0xA0];
	_ =	sdelay $0x4  }
0xb6: {  	v5 =	vperm.xlane v4, v1;
	_ =	sdelay $0x1  }
0xb7: {  	v4 =	vperm.xlane v4, v3;
	v5 =	vadd.s32 v2, v5;
	_ =	sdelay $0x1  }
0xb8: {  	v4 =	vadd.s32 v2, v4;
	_ =	sdelay $0x1  }
0xb9: {  	s9 =	simm.s32 $0xD200  }
0xba: {  	[tilespmem:s9], [sflag:$0x3] =	stream.indirect_vreg.gather [hbm4b:s1+s5], $0x80, v5, vm0, $0xb8;
	[tilespmem:$0x1B200] =	vst v63  }
0xbb: {  	s10 =	simm.s32 $0xDA00  }
0xbc: {  	[tilespmem:s10], [sflag:$0x3] =	stream.indirect_vreg.gather [hbm4b:s1+s5], $0x80, v4, vm0, $0xb8;
	[tilespmem:$0x1B200] =	vst v63  }
0xbd: {  	v4 =	vld [tilespmem:s7+$0xB0];
	_ =	sdelay $0x4  }
0xbe: {  	v5 =	vperm.xlane v4, v1;
	_ =	sdelay $0x1  }
0xbf: {  	v4 =	vperm.xlane v4, v3;
	v5 =	vadd.s32 v2, v5;
	_ =	sdelay $0x1  }
0xc0: {  	v4 =	vadd.s32 v2, v4;
	_ =	sdelay $0x1  }
0xc1: {  	s13 =	simm.s32 $0xE200  }
0xc2: {  	[tilespmem:s13], [sflag:$0x3] =	stream.indirect_vreg.gather [hbm4b:s1+s5], $0x80, v5, vm0, $0xb8;
	[tilespmem:$0x1B200] =	vst v63  }
0xc3: {  	s14 =	simm.s32 $0xEA00  }
0xc4: {  	[tilespmem:s14], [sflag:$0x3] =	stream.indirect_vreg.gather [hbm4b:s1+s5], $0x80, v4, vm0, $0xb8;
	[tilespmem:$0x1B200] =	vst v63  }
0xc5: {  	v4 =	vld [tilespmem:s7+$0xD00];
	_ =	sdelay $0x4  }
0xc6: {  	v5 =	vperm.xlane v4, v1;
	_ =	sdelay $0x1  }
0xc7: {  	v4 =	vperm.xlane v4, v3;
	v5 =	vadd.s32 v2, v5;
	_ =	sdelay $0x1  }
0xc8: {  	v4 =	vadd.s32 v2, v4;
	_ =	sdelay $0x1  }
0xc9: {  	s9 =	simm.s32 $0xB600  }
0xca: {  	[tilespmem:s9], [sflag:$0x3] =	stream.indirect_vreg.gather [hbm4b:s1+s5], $0x80, v5, vm0, $0xb8;
	[tilespmem:$0x1B200] =	vst v63  }
0xcb: {  	s10 =	simm.s32 $0xBE00  }
0xcc: {  	[tilespmem:s10], [sflag:$0x3] =	stream.indirect_vreg.gather [hbm4b:s1+s5], $0x80, v4, vm0, $0xb8;
	[tilespmem:$0x1B200] =	vst v63  }
0xcd: {  	v4 =	vld [tilespmem:s7+$0xD10];
	_ =	sdelay $0x4  }
0xce: {  	v5 =	vperm.xlane v4, v1;
	_ =	sdelay $0x1  }
0xcf: {  	v4 =	vperm.xlane v4, v3;
	v5 =	vadd.s32 v2, v5;
	_ =	sdelay $0x1  }
0xd0: {  	v4 =	vadd.s32 v2, v4;
	_ =	sdelay $0x1  }
0xd1: {  	s13 =	simm.s32 $0xC600  }
0xd2: {  	[tilespmem:s13], [sflag:$0x3] =	stream.indirect_vreg.gather [hbm4b:s1+s5], $0x80, v5, vm0, $0xb8;
	[tilespmem:$0x1B200] =	vst v63  }
0xd3: {  	s14 =	simm.s32 $0xCE00  }
0xd4: {  	[tilespmem:s14], [sflag:$0x3] =	stream.indirect_vreg.gather [hbm4b:s1+s5], $0x80, v4, vm0, $0xb8;
	[tilespmem:$0x1B200] =	vst v63  }
0xd5: {  	v4 =	vld [tilespmem:s7+$0xD20];
	_ =	sdelay $0x4  }
0xd6: {  	v5 =	vperm.xlane v4, v1;
	_ =	sdelay $0x1  }
0xd7: {  	v4 =	vperm.xlane v4, v3;
	v5 =	vadd.s32 v2, v5;
	_ =	sdelay $0x1  }
0xd8: {  	v4 =	vadd.s32 v2, v4;
	_ =	sdelay $0x1  }
0xd9: {  	s9 =	simm.s32 $0xD600  }
0xda: {  	[tilespmem:s9], [sflag:$0x3] =	stream.indirect_vreg.gather [hbm4b:s1+s5], $0x80, v5, vm0, $0xb8;
	[tilespmem:$0x1B200] =	vst v63  }
0xdb: {  	s10 =	simm.s32 $0xDE00  }
0xdc: {  	[tilespmem:s10], [sflag:$0x3] =	stream.indirect_vreg.gather [hbm4b:s1+s5], $0x80, v4, vm0, $0xb8;
	[tilespmem:$0x1B200] =	vst v63  }
0xdd: {  	v4 =	vld [tilespmem:s7+$0xD30];
	_ =	sdelay $0x4  }
0xde: {  	v5 =	vperm.xlane v4, v1;
	_ =	sdelay $0x1  }
0xdf: {  	v4 =	vperm.xlane v4, v3;
	v5 =	vadd.s32 v2, v5;
	_ =	sdelay $0x1  }
0xe0: {  	v4 =	vadd.s32 v2, v4;
	_ =	sdelay $0x1  }
0xe1: {  	s13 =	simm.s32 $0xE600  }
0xe2: {  	[tilespmem:s13], [sflag:$0x3] =	stream.indirect_vreg.gather [hbm4b:s1+s5], $0x80, v5, vm0, $0xb8;
	[tilespmem:$0x1B200] =	vst v63  }
0xe3: {  	s14 =	simm.s32 $0xEE00  }
0xe4: {  	[tilespmem:s14], [sflag:$0x3] =	stream.indirect_vreg.gather [hbm4b:s1+s5], $0x80, v4, vm0, $0xb8;
	[tilespmem:$0x1B200] =	vst v63  }
0xe5: {  	v4 =	vld [tilespmem:s7+$0x1980];
	_ =	sdelay $0x4  }
0xe6: {  	v5 =	vperm.xlane v4, v1;
	_ =	sdelay $0x1  }
0xe7: {  	v4 =	vperm.xlane v4, v3;
	v5 =	vadd.s32 v2, v5;
	_ =	sdelay $0x1  }
0xe8: {  	v4 =	vadd.s32 v2, v4;
	_ =	sdelay $0x1  }
0xe9: {  	s9 =	simm.s32 $0x17200  }
0xea: {  	[tilespmem:s9], [sflag:$0x6] =	stream.indirect_vreg.gather [hbm4b:s1+s5], $0x80, v5, vm0, $0xb8;
	[tilespmem:$0x1B200] =	vst v63  }
0xeb: {  	s10 =	simm.s32 $0x17A00  }
0xec: {  	[tilespmem:s10], [sflag:$0x6] =	stream.indirect_vreg.gather [hbm4b:s1+s5], $0x80, v4, vm0, $0xb8;
	[tilespmem:$0x1B200] =	vst v63  }
0xed: {  	v4 =	vld [tilespmem:s7+$0x1990];
	_ =	sdelay $0x4  }
0xee: {  	v5 =	vperm.xlane v4, v1;
	_ =	sdelay $0x1  }
0xef: {  	v4 =	vperm.xlane v4, v3;
	v5 =	vadd.s32 v2, v5;
	_ =	sdelay $0x1  }
0xf0: {  	v4 =	vadd.s32 v2, v4;
	_ =	sdelay $0x1  }
0xf1: {  	s13 =	simm.s32 $0x18200  }
0xf2: {  	[tilespmem:s13], [sflag:$0x6] =	stream.indirect_vreg.gather [hbm4b:s1+s5], $0x80, v5, vm0, $0xb8;
	[tilespmem:$0x1B200] =	vst v63  }
0xf3: {  	s14 =	simm.s32 $0x18A00  }
0xf4: {  	[tilespmem:s14], [sflag:$0x6] =	stream.indirect_vreg.gather [hbm4b:s1+s5], $0x80, v4, vm0, $0xb8;
	[tilespmem:$0x1B200] =	vst v63  }
0xf5: {  	v4 =	vld [tilespmem:s7+$0x19A0];
	_ =	sdelay $0x4  }
0xf6: {  	v5 =	vperm.xlane v4, v1;
	_ =	sdelay $0x1  }
0xf7: {  	v4 =	vperm.xlane v4, v3;
	v5 =	vadd.s32 v2, v5;
	_ =	sdelay $0x1  }
0xf8: {  	v4 =	vadd.s32 v2, v4;
	_ =	sdelay $0x1  }
0xf9: {  	s9 =	simm.s32 $0x19200  }
0xfa: {  	[tilespmem:s9], [sflag:$0x6] =	stream.indirect_vreg.gather [hbm4b:s1+s5], $0x80, v5, vm0, $0xb8;
	[tilespmem:$0x1B200] =	vst v63  }
0xfb: {  	s10 =	simm.s32 $0x19A00  }
0xfc: {  	[tilespmem:s10], [sflag:$0x6] =	stream.indirect_vreg.gather [hbm4b:s1+s5], $0x80, v4, vm0, $0xb8;
	[tilespmem:$0x1B200] =	vst v63  }
0xfd: {  	v4 =	vld [tilespmem:s7+$0x19B0];
	_ =	sdelay $0x4  }
0xfe: {  	v5 =	vperm.xlane v4, v1;
	_ =	sdelay $0x1  }
0xff: {  	v4 =	vperm.xlane v4, v3;
	v5 =	vadd.s32 v2, v5;
	_ =	sdelay $0x1  }
0x100: {  	v4 =	vadd.s32 v2, v4;
	_ =	sdelay $0x1  }
0x101: {  	s13 =	simm.s32 $0x1A200  }
0x102: {  	[tilespmem:s13], [sflag:$0x6] =	stream.indirect_vreg.gather [hbm4b:s1+s5], $0x80, v5, vm0, $0xb8;
	[tilespmem:$0x1B200] =	vst v63  }
0x103: {  	s14 =	simm.s32 $0x1AA00  }
0x104: {  	[tilespmem:s14], [sflag:$0x6] =	stream.indirect_vreg.gather [hbm4b:s1+s5], $0x80, v4, vm0, $0xb8;
	[tilespmem:$0x1B200] =	vst v63  }
0x105: {  	v4 =	vld [tilespmem:s7+$0x2600];
	_ =	sdelay $0x4  }
0x106: {  	v5 =	vperm.xlane v4, v1;
	_ =	sdelay $0x1  }
0x107: {  	v4 =	vperm.xlane v4, v3;
	v5 =	vadd.s32 v2, v5;
	_ =	sdelay $0x1  }
0x108: {  	v4 =	vadd.s32 v2, v4;
	_ =	sdelay $0x1  }
0x109: {  	s9 =	simm.s32 $0x17600  }
0x10a: {  	[tilespmem:s9], [sflag:$0x6] =	stream.indirect_vreg.gather [hbm4b:s1+s5], $0x80, v5, vm0, $0xb8;
	[tilespmem:$0x1B200] =	vst v63  }
0x10b: {  	s10 =	simm.s32 $0x17E00  }
0x10c: {  	[tilespmem:s10], [sflag:$0x6] =	stream.indirect_vreg.gather [hbm4b:s1+s5], $0x80, v4, vm0, $0xb8;
	[tilespmem:$0x1B200] =	vst v63  }
0x10d: {  	v4 =	vld [tilespmem:s7+$0x2610];
	_ =	sdelay $0x4  }
0x10e: {  	v5 =	vperm.xlane v4, v1;
	_ =	sdelay $0x1  }
0x10f: {  	v4 =	vperm.xlane v4, v3;
	v5 =	vadd.s32 v2, v5;
	_ =	sdelay $0x1  }
0x110: {  	v4 =	vadd.s32 v2, v4;
	_ =	sdelay $0x1  }
0x111: {  	s13 =	simm.s32 $0x18600  }
0x112: {  	[tilespmem:s13], [sflag:$0x6] =	stream.indirect_vreg.gather [hbm4b:s1+s5], $0x80, v5, vm0, $0xb8;
	[tilespmem:$0x1B200] =	vst v63  }
0x113: {  	s14 =	simm.s32 $0x18E00  }
0x114: {  	[tilespmem:s14], [sflag:$0x6] =	stream.indirect_vreg.gather [hbm4b:s1+s5], $0x80, v4, vm0, $0xb8;
	[tilespmem:$0x1B200] =	vst v63  }
0x115: {  	v4 =	vld [tilespmem:s7+$0x2620];
	_ =	sdelay $0x4  }
0x116: {  	v5 =	vperm.xlane v4, v1;
	_ =	sdelay $0x1  }
0x117: {  	v4 =	vperm.xlane v4, v3;
	v5 =	vadd.s32 v2, v5;
	_ =	sdelay $0x1  }
0x118: {  	v4 =	vadd.s32 v2, v4;
	_ =	sdelay $0x1  }
0x119: {  	s9 =	simm.s32 $0x19600  }
0x11a: {  	[tilespmem:s9], [sflag:$0x6] =	stream.indirect_vreg.gather [hbm4b:s1+s5], $0x80, v5, vm0, $0xb8;
	[tilespmem:$0x1B200] =	vst v63  }
0x11b: {  	s10 =	simm.s32 $0x19E00  }
0x11c: {  	[tilespmem:s10], [sflag:$0x6] =	stream.indirect_vreg.gather [hbm4b:s1+s5], $0x80, v4, vm0, $0xb8;
	[tilespmem:$0x1B200] =	vst v63  }
0x11d: {  	v4 =	vld [tilespmem:s7+$0x2630];
	_ =	sdelay $0x4  }
0x11e: {  	v5 =	vperm.xlane v4, v1;
	_ =	sdelay $0x1  }
0x11f: {  	v4 =	vperm.xlane v4, v3;
	v5 =	vadd.s32 v2, v5;
	_ =	sdelay $0x1  }
0x120: {  	v4 =	vadd.s32 v2, v4;
	_ =	sdelay $0x1  }
0x121: {  	s13 =	simm.s32 $0x1A600  }
0x122: {  	[tilespmem:s13], [sflag:$0x6] =	stream.indirect_vreg.gather [hbm4b:s1+s5], $0x80, v5, vm0, $0xb8;
	[tilespmem:$0x1B200] =	vst v63  }
0x123: {  	s14 =	simm.s32 $0x1AE00  }
0x124: {  	[tilespmem:s14], [sflag:$0x6] =	stream.indirect_vreg.gather [hbm4b:s1+s5], $0x80, v4, vm0, $0xb8;
	[tilespmem:$0x1B200] =	vst v63  }
.LBB2_16:
0x125: {  	s16 =	sadd.s32 $0x3, s16  }
0x126: {  	p0 =	sne.s32 s16, $0x36  }
.Ltmp5:
0x127: {  	_ = 	snop;
	(pc) =	sbr.rel @!p0 .LBB2_17-.Ltmp5, $2  }
0x128: {  	_ =	sdelay $0x2  }
0x129: {  	s17 =	sadd.s32 $0x1, s17;
	s15 =	sadd.s32 $0x1800, s15;
	s4 =	sadd.s32 $0x300, s4  }
.LBB2_5:
0x12a: {  	s7 =	sadd.s32 $0xFFFFFFFD, s16  }
0x12b: {  	p4 =	sgt.u32 s7, $0x30  }
0x12c: {  	s7 =	simm.s32 @!p4 $0x1  }
0x12d: {  	_ =	swait.ge @!p4 [sflag:s7], $0x2000  }
0x12e: {  	[sflag:s7] =	ssyncset.done @!p4 $0x0  }
0x12f: {  	[sflag:s7] =	ssyncadd.s32 @!p4 $0xFFFFE000  }
0x130: {  	_ =	swait.ge @!p4 [sflag:s7], $0x2000  }
0x131: {  	[sflag:s7] =	ssyncset.done @!p4 $0x0  }
0x132: {  	[sflag:s7] =	ssyncadd.s32 @!p4 $0xFFFFE000;
	s7 =	simm.s32 @!p4 $0x4  }
0x133: {  	_ =	swait.ge @!p4 [sflag:s7], $0x2000  }
0x134: {  	s8 =	sadd.s32 @!p4 s16, s6;
	[sflag:s7] =	ssyncset.done @!p4 $0x0  }
0x135: {  	s9 =	sadd.s32 @!p4 $0xFFFFFFFD, s8;
	[sflag:s7] =	ssyncadd.s32 @!p4 $0xFFFFE000  }
0x136: {  	p6 =	slt.s32 @!p4 s9, $0x61A;
	_ =	swait.ge @!p4 [sflag:s7], $0x2000  }
0x137: {  	p3 =	por !p6, p4;
	[sflag:s7] =	ssyncset.done @!p4 $0x0  }
0x138: {  	[sflag:s7] =	ssyncadd.s32 @!p4 $0xFFFFE000;
	s7 =	sand.u32 @!p3 $0x1FFFF800, s15  }
0x139: {  	s10 =	simm.s32 @!p3 $0x0;
	s13 =	simm.s32 @!p3 $0x3200;
	s9 =	sadd.s32 @!p3 s2, s7  }
0x13a: {  	[hbm4b:s9+s10] =	stream.linear.scatter @!p3 [tilespmem:s13], [sflag:$0x7], $0x4000, $0x38;
	[tilespmem:$0x1B200] =	vst v63  }
0x13b: {  	s7 =	sadd.s32 @!p3 s3, s7;
	s9 =	simm.s32 @!p3 $0xF200  }
0x13c: {  	[hbm4b:s7+s10] =	stream.linear.scatter @!p3 [tilespmem:s9], [sflag:$0xA], $0x4000, $0x38;
	[tilespmem:$0x1B200] =	vst v63  }
0x13d: {  	s7 =	sadd.s32 @!p4 $0xFFFFF9E3, s8;
	p3 =	por p6, p4  }
0x13e: {  	p3 =	seq.s32 @!p3 s7, $0x0  }
0x13f: {  	p3 =	por @!p4 !p3, p6  }
0x140: {  	p3 =	por p3, p4  }
0x141: {  	s7 =	simm.s32 @!p3 $0x0;
	s8 =	simm.s32 @!p3 $0x3200  }
0x142: {  	[hbm4b:s11+s7] =	stream.linear.scatter @!p3 [tilespmem:s8], [sflag:$0x7], $0x2000, $0x38;
	[tilespmem:$0x1B200] =	vst v63  }
0x143: {  	s8 =	simm.s32 @!p3 $0xF200  }
0x144: {  	[hbm4b:s12+s7] =	stream.linear.scatter @!p3 [tilespmem:s8], [sflag:$0xA], $0x2000, $0x38;
	[tilespmem:$0x1B200] =	vst v63  }
0x145: {  	p3 =	seq.s32 s17, $0x0  }
.Ltmp6:
0x146: {  	_ = 	snop;
	(pc) =	sbr.rel @p3 .LBB2_8-.Ltmp6, $1  }
0x147: {  	_ =	sdelay $0x3  }
0x148: {  	p3 =	seq.s32 s17, $0x11  }
.Ltmp7:
0x149: {  	_ = 	snop;
	(pc) =	sbr.rel @p3 .LBB2_17-.Ltmp7, $1  }
0x14a: {  	_ =	sdelay $0x3  }
0x14b: {  	s7 =	sadd.s32 s16, s6  }
0x14c: {  	s8 =	sadd.s32 $0xFFFFFFFD, s7  }
0x14d: {  	p3 =	slt.s32 s8, $0x61A  }
0x14e: {  	s8 =	simm.s32 @p3 $0x7  }
0x14f: {  	_ =	swait.ge @p3 [sflag:s8], $0x4000  }
0x150: {  	[sflag:s8] =	ssyncset.done @p3 $0x0  }
0x151: {  	s7 =	sadd.s32 $0xFFFFF9E3, s7;
	[sflag:s8] =	ssyncadd.s32 @p3 $0xFFFFC000;
	s8 =	simm.s32 @p3 $0xA  }
0x152: {  	p4 =	seq.s32 @!p3 s7, $0x0;
	_ =	swait.ge @p3 [sflag:s8], $0x4000  }
0x153: {  	p4 =	por !p4, p3;
	[sflag:s8] =	ssyncset.done @p3 $0x0  }
0x154: {  	s7 =	simm.s32 @!p4 $0x7;
	[sflag:s8] =	ssyncadd.s32 @p3 $0xFFFFC000  }
0x155: {  	_ =	swait.ge @!p4 [sflag:s7], $0x2000  }
0x156: {  	[sflag:s7] =	ssyncset.done @!p4 $0x0  }
0x157: {  	[sflag:s7] =	ssyncadd.s32 @!p4 $0xFFFFE000;
	s7 =	simm.s32 @!p4 $0xA  }
0x158: {  	_ =	swait.ge @!p4 [sflag:s7], $0x2000  }
0x159: {  	[sflag:s7] =	ssyncset.done @!p4 $0x0  }
0x15a: {  	[sflag:s7] =	ssyncadd.s32 @!p4 $0xFFFFE000  }
.LBB2_8:
0x15b: {  	s7 =	sshra.s32 s4, $0x2  }
0x15c: {  	v4 =	vld [tilespmem:s7+$0x0];
	_ =	sdelay $0x4  }
0x15d: {  	v5 =	vperm.xlane v4, v1;
	_ =	sdelay $0x1  }
0x15e: {  	v4 =	vperm.xlane v4, v3;
	v5 =	vadd.s32 v2, v5;
	_ =	sdelay $0x1  }
0x15f: {  	v4 =	vadd.s32 v2, v4;
	_ =	sdelay $0x1  }
0x160: {  	s8 =	simm.s32 $0x3200  }
0x161: {  	[tilespmem:s8], [sflag:$0x1] =	stream.indirect_vreg.gather [hbm4b:s1+s5], $0x80, v5, vm0, $0xb8;
	[tilespmem:$0x1B200] =	vst v63  }
0x162: {  	s9 =	simm.s32 $0x3A00  }
0x163: {  	[tilespmem:s9], [sflag:$0x1] =	stream.indirect_vreg.gather [hbm4b:s1+s5], $0x80, v4, vm0, $0xb8;
	[tilespmem:$0x1B200] =	vst v63  }
0x164: {  	v4 =	vld [tilespmem:s7+$0x10];
	_ =	sdelay $0x4  }
0x165: {  	v5 =	vperm.xlane v4, v1;
	_ =	sdelay $0x1  }
0x166: {  	v4 =	vperm.xlane v4, v3;
	v5 =	vadd.s32 v2, v5;
	_ =	sdelay $0x1  }
0x167: {  	v4 =	vadd.s32 v2, v4;
	_ =	sdelay $0x1  }
0x168: {  	s10 =	simm.s32 $0x4200  }
0x169: {  	[tilespmem:s10], [sflag:$0x1] =	stream.indirect_vreg.gather [hbm4b:s1+s5], $0x80, v5, vm0, $0xb8;
	[tilespmem:$0x1B200] =	vst v63  }
0x16a: {  	s13 =	simm.s32 $0x4A00  }
0x16b: {  	[tilespmem:s13], [sflag:$0x1] =	stream.indirect_vreg.gather [hbm4b:s1+s5], $0x80, v4, vm0, $0xb8;
	[tilespmem:$0x1B200] =	vst v63  }
0x16c: {  	v4 =	vld [tilespmem:s7+$0x20];
	_ =	sdelay $0x4  }
0x16d: {  	v5 =	vperm.xlane v4, v1;
	_ =	sdelay $0x1  }
0x16e: {  	v4 =	vperm.xlane v4, v3;
	v5 =	vadd.s32 v2, v5;
	_ =	sdelay $0x1  }
0x16f: {  	v4 =	vadd.s32 v2, v4;
	_ =	sdelay $0x1  }
0x170: {  	s14 =	simm.s32 $0x5200  }
0x171: {  	[tilespmem:s14], [sflag:$0x1] =	stream.indirect_vreg.gather [hbm4b:s1+s5], $0x80, v5, vm0, $0xb8;
	[tilespmem:$0x1B200] =	vst v63  }
0x172: {  	s9 =	simm.s32 $0x5A00  }
0x173: {  	[tilespmem:s9], [sflag:$0x1] =	stream.indirect_vreg.gather [hbm4b:s1+s5], $0x80, v4, vm0, $0xb8;
	[tilespmem:$0x1B200] =	vst v63  }
0x174: {  	v4 =	vld [tilespmem:s7+$0x30];
	_ =	sdelay $0x4  }
0x175: {  	v5 =	vperm.xlane v4, v1;
	_ =	sdelay $0x1  }
0x176: {  	v4 =	vperm.xlane v4, v3;
	v5 =	vadd.s32 v2, v5;
	_ =	sdelay $0x1  }
0x177: {  	v4 =	vadd.s32 v2, v4;
	_ =	sdelay $0x1  }
0x178: {  	s10 =	simm.s32 $0x6200  }
0x179: {  	[tilespmem:s10], [sflag:$0x1] =	stream.indirect_vreg.gather [hbm4b:s1+s5], $0x80, v5, vm0, $0xb8;
	[tilespmem:$0x1B200] =	vst v63  }
0x17a: {  	s13 =	simm.s32 $0x6A00  }
0x17b: {  	[tilespmem:s13], [sflag:$0x1] =	stream.indirect_vreg.gather [hbm4b:s1+s5], $0x80, v4, vm0, $0xb8;
	[tilespmem:$0x1B200] =	vst v63  }
0x17c: {  	v4 =	vld [tilespmem:s7+$0xC80];
	_ =	sdelay $0x4  }
0x17d: {  	v5 =	vperm.xlane v4, v1;
	_ =	sdelay $0x1  }
0x17e: {  	v4 =	vperm.xlane v4, v3;
	v5 =	vadd.s32 v2, v5;
	_ =	sdelay $0x1  }
0x17f: {  	v4 =	vadd.s32 v2, v4;
	_ =	sdelay $0x1  }
0x180: {  	s14 =	simm.s32 $0x3600  }
0x181: {  	[tilespmem:s14], [sflag:$0x1] =	stream.indirect_vreg.gather [hbm4b:s1+s5], $0x80, v5, vm0, $0xb8;
	[tilespmem:$0x1B200] =	vst v63  }
0x182: {  	s9 =	simm.s32 $0x3E00  }
0x183: {  	[tilespmem:s9], [sflag:$0x1] =	stream.indirect_vreg.gather [hbm4b:s1+s5], $0x80, v4, vm0, $0xb8;
	[tilespmem:$0x1B200] =	vst v63  }
0x184: {  	v4 =	vld [tilespmem:s7+$0xC90];
	_ =	sdelay $0x4  }
0x185: {  	v5 =	vperm.xlane v4, v1;
	_ =	sdelay $0x1  }
0x186: {  	v4 =	vperm.xlane v4, v3;
	v5 =	vadd.s32 v2, v5;
	_ =	sdelay $0x1  }
0x187: {  	v4 =	vadd.s32 v2, v4;
	_ =	sdelay $0x1  }
0x188: {  	s10 =	simm.s32 $0x4600  }
0x189: {  	[tilespmem:s10], [sflag:$0x1] =	stream.indirect_vreg.gather [hbm4b:s1+s5], $0x80, v5, vm0, $0xb8;
	[tilespmem:$0x1B200] =	vst v63  }
0x18a: {  	s13 =	simm.s32 $0x4E00  }
0x18b: {  	[tilespmem:s13], [sflag:$0x1] =	stream.indirect_vreg.gather [hbm4b:s1+s5], $0x80, v4, vm0, $0xb8;
	[tilespmem:$0x1B200] =	vst v63  }
0x18c: {  	v4 =	vld [tilespmem:s7+$0xCA0];
	_ =	sdelay $0x4  }
0x18d: {  	v5 =	vperm.xlane v4, v1;
	_ =	sdelay $0x1  }
0x18e: {  	v4 =	vperm.xlane v4, v3;
	v5 =	vadd.s32 v2, v5;
	_ =	sdelay $0x1  }
0x18f: {  	v4 =	vadd.s32 v2, v4;
	_ =	sdelay $0x1  }
0x190: {  	s14 =	simm.s32 $0x5600  }
0x191: {  	[tilespmem:s14], [sflag:$0x1] =	stream.indirect_vreg.gather [hbm4b:s1+s5], $0x80, v5, vm0, $0xb8;
	[tilespmem:$0x1B200] =	vst v63  }
0x192: {  	s9 =	simm.s32 $0x5E00  }
0x193: {  	[tilespmem:s9], [sflag:$0x1] =	stream.indirect_vreg.gather [hbm4b:s1+s5], $0x80, v4, vm0, $0xb8;
	[tilespmem:$0x1B200] =	vst v63  }
0x194: {  	v4 =	vld [tilespmem:s7+$0xCB0];
	_ =	sdelay $0x4  }
0x195: {  	v5 =	vperm.xlane v4, v1;
	_ =	sdelay $0x1  }
0x196: {  	v4 =	vperm.xlane v4, v3;
	v5 =	vadd.s32 v2, v5;
	_ =	sdelay $0x1  }
0x197: {  	v4 =	vadd.s32 v2, v4;
	_ =	sdelay $0x1  }
0x198: {  	s10 =	simm.s32 $0x6600  }
0x199: {  	[tilespmem:s10], [sflag:$0x1] =	stream.indirect_vreg.gather [hbm4b:s1+s5], $0x80, v5, vm0, $0xb8;
	[tilespmem:$0x1B200] =	vst v63  }
0x19a: {  	s13 =	simm.s32 $0x6E00  }
0x19b: {  	[tilespmem:s13], [sflag:$0x1] =	stream.indirect_vreg.gather [hbm4b:s1+s5], $0x80, v4, vm0, $0xb8;
	[tilespmem:$0x1B200] =	vst v63  }
0x19c: {  	v4 =	vld [tilespmem:s7+$0x1900];
	_ =	sdelay $0x4  }
0x19d: {  	v5 =	vperm.xlane v4, v1;
	_ =	sdelay $0x1  }
0x19e: {  	v4 =	vperm.xlane v4, v3;
	v5 =	vadd.s32 v2, v5;
	_ =	sdelay $0x1  }
0x19f: {  	v4 =	vadd.s32 v2, v4;
	_ =	sdelay $0x1  }
0x1a0: {  	s14 =	simm.s32 $0xF200  }
0x1a1: {  	[tilespmem:s14], [sflag:$0x4] =	stream.indirect_vreg.gather [hbm4b:s1+s5], $0x80, v5, vm0, $0xb8;
	[tilespmem:$0x1B200] =	vst v63  }
0x1a2: {  	s9 =	simm.s32 $0xFA00  }
0x1a3: {  	[tilespmem:s9], [sflag:$0x4] =	stream.indirect_vreg.gather [hbm4b:s1+s5], $0x80, v4, vm0, $0xb8;
	[tilespmem:$0x1B200] =	vst v63  }
0x1a4: {  	v4 =	vld [tilespmem:s7+$0x1910];
	_ =	sdelay $0x4  }
0x1a5: {  	v5 =	vperm.xlane v4, v1;
	_ =	sdelay $0x1  }
0x1a6: {  	v4 =	vperm.xlane v4, v3;
	v5 =	vadd.s32 v2, v5;
	_ =	sdelay $0x1  }
0x1a7: {  	v4 =	vadd.s32 v2, v4;
	_ =	sdelay $0x1  }
0x1a8: {  	s10 =	simm.s32 $0x10200  }
0x1a9: {  	[tilespmem:s10], [sflag:$0x4] =	stream.indirect_vreg.gather [hbm4b:s1+s5], $0x80, v5, vm0, $0xb8;
	[tilespmem:$0x1B200] =	vst v63  }
0x1aa: {  	s13 =	simm.s32 $0x10A00  }
0x1ab: {  	[tilespmem:s13], [sflag:$0x4] =	stream.indirect_vreg.gather [hbm4b:s1+s5], $0x80, v4, vm0, $0xb8;
	[tilespmem:$0x1B200] =	vst v63  }
0x1ac: {  	v4 =	vld [tilespmem:s7+$0x1920];
	_ =	sdelay $0x4  }
0x1ad: {  	v5 =	vperm.xlane v4, v1;
	_ =	sdelay $0x1  }
0x1ae: {  	v4 =	vperm.xlane v4, v3;
	v5 =	vadd.s32 v2, v5;
	_ =	sdelay $0x1  }
0x1af: {  	v4 =	vadd.s32 v2, v4;
	_ =	sdelay $0x2  }
0x1b0: {  	[tilespmem:s18], [sflag:$0x4] =	stream.indirect_vreg.gather [hbm4b:s1+s5], $0x80, v5, vm0, $0xb8;
	[tilespmem:$0x1B200] =	vst v63  }
0x1b1: {  	_ = 	snop  }
0x1b2: {  	[tilespmem:s19], [sflag:$0x4] =	stream.indirect_vreg.gather [hbm4b:s1+s5], $0x80, v4, vm0, $0xb8;
	[tilespmem:$0x1B200] =	vst v63  }
0x1b3: {  	v4 =	vld [tilespmem:s7+$0x1930];
	_ =	sdelay $0x4  }
0x1b4: {  	v5 =	vperm.xlane v4, v1;
	_ =	sdelay $0x1  }
0x1b5: {  	v4 =	vperm.xlane v4, v3;
	v5 =	vadd.s32 v2, v5;
	_ =	sdelay $0x1  }
0x1b6: {  	v4 =	vadd.s32 v2, v4;
	_ =	sdelay $0x2  }
0x1b7: {  	[tilespmem:s20], [sflag:$0x4] =	stream.indirect_vreg.gather [hbm4b:s1+s5], $0x80, v5, vm0, $0xb8;
	[tilespmem:$0x1B200] =	vst v63  }
0x1b8: {  	_ = 	snop  }
0x1b9: {  	[tilespmem:s21], [sflag:$0x4] =	stream.indirect_vreg.gather [hbm4b:s1+s5], $0x80, v4, vm0, $0xb8;
	[tilespmem:$0x1B200] =	vst v63  }
0x1ba: {  	v4 =	vld [tilespmem:s7+$0x2580];
	_ =	sdelay $0x4  }
0x1bb: {  	v5 =	vperm.xlane v4, v1;
	_ =	sdelay $0x1  }
0x1bc: {  	v4 =	vperm.xlane v4, v3;
	v5 =	vadd.s32 v2, v5;
	_ =	sdelay $0x1  }
0x1bd: {  	v4 =	vadd.s32 v2, v4;
	_ =	sdelay $0x2  }
0x1be: {  	[tilespmem:s22], [sflag:$0x4] =	stream.indirect_vreg.gather [hbm4b:s1+s5], $0x80, v5, vm0, $0xb8;
	[tilespmem:$0x1B200] =	vst v63  }
0x1bf: {  	_ = 	snop  }
0x1c0: {  	[tilespmem:s23], [sflag:$0x4] =	stream.indirect_vreg.gather [hbm4b:s1+s5], $0x80, v4, vm0, $0xb8;
	[tilespmem:$0x1B200] =	vst v63  }
0x1c1: {  	v4 =	vld [tilespmem:s7+$0x2590];
	_ =	sdelay $0x4  }
0x1c2: {  	v5 =	vperm.xlane v4, v1;
	_ =	sdelay $0x1  }
0x1c3: {  	v4 =	vperm.xlane v4, v3;
	v5 =	vadd.s32 v2, v5;
	_ =	sdelay $0x1  }
0x1c4: {  	v4 =	vadd.s32 v2, v4;
	_ =	sdelay $0x2  }
0x1c5: {  	[tilespmem:s24], [sflag:$0x4] =	stream.indirect_vreg.gather [hbm4b:s1+s5], $0x80, v5, vm0, $0xb8;
	[tilespmem:$0x1B200] =	vst v63  }
0x1c6: {  	_ = 	snop  }
0x1c7: {  	[tilespmem:s25], [sflag:$0x4] =	stream.indirect_vreg.gather [hbm4b:s1+s5], $0x80, v4, vm0, $0xb8;
	[tilespmem:$0x1B200] =	vst v63  }
0x1c8: {  	v4 =	vld [tilespmem:s7+$0x25A0];
	_ =	sdelay $0x4  }
0x1c9: {  	v5 =	vperm.xlane v4, v1;
	_ =	sdelay $0x1  }
0x1ca: {  	v4 =	vperm.xlane v4, v3;
	v5 =	vadd.s32 v2, v5;
	_ =	sdelay $0x1  }
0x1cb: {  	v4 =	vadd.s32 v2, v4;
	_ =	sdelay $0x2  }
0x1cc: {  	[tilespmem:s26], [sflag:$0x4] =	stream.indirect_vreg.gather [hbm4b:s1+s5], $0x80, v5, vm0, $0xb8;
	[tilespmem:$0x1B200] =	vst v63  }
0x1cd: {  	_ = 	snop  }
0x1ce: {  	[tilespmem:s28], [sflag:$0x4] =	stream.indirect_vreg.gather [hbm4b:s1+s5], $0x80, v4, vm0, $0xb8;
	[tilespmem:$0x1B200] =	vst v63  }
0x1cf: {  	v4 =	vld [tilespmem:s7+$0x25B0];
	_ =	sdelay $0x4  }
0x1d0: {  	v5 =	vperm.xlane v4, v1;
	_ =	sdelay $0x1  }
0x1d1: {  	v4 =	vperm.xlane v4, v3;
	v5 =	vadd.s32 v2, v5;
	_ =	sdelay $0x1  }
0x1d2: {  	v4 =	vadd.s32 v2, v4  }
0x1d3: {  	s14 =	sadd.s32 $0xFFFFFFFE, s16  }
0x1d4: {  	p4 =	sgt.u32 s14, $0x30  }
0x1d5: {  	[tilespmem:s29], [sflag:$0x4] =	stream.indirect_vreg.gather [hbm4b:s1+s5], $0x80, v5, vm0, $0xb8;
	[tilespmem:$0x1B200] =	vst v63  }
0x1d6: {  	s8 =	simm.s32 @!p4 $0x2  }
0x1d7: {  	[tilespmem:s30], [sflag:$0x4] =	stream.indirect_vreg.gather [hbm4b:s1+s5], $0x80, v4, vm0, $0xb8;
	[tilespmem:$0x1B200] =	vst v63  }
0x1d8: {  	_ =	swait.ge @!p4 [sflag:s8], $0x2000  }
0x1d9: {  	[sflag:s8] =	ssyncset.done @!p4 $0x0  }
0x1da: {  	[sflag:s8] =	ssyncadd.s32 @!p4 $0xFFFFE000  }
0x1db: {  	_ =	swait.ge @!p4 [sflag:s8], $0x2000  }
0x1dc: {  	[sflag:s8] =	ssyncset.done @!p4 $0x0  }
0x1dd: {  	[sflag:s8] =	ssyncadd.s32 @!p4 $0xFFFFE000;
	s8 =	simm.s32 @!p4 $0x5  }
0x1de: {  	s9 =	sadd.s32 @!p4 s16, s6;
	_ =	swait.ge @!p4 [sflag:s8], $0x2000  }
0x1df: {  	s10 =	sadd.s32 @!p4 $0xFFFFFFFE, s9;
	[sflag:s8] =	ssyncset.done @!p4 $0x0  }
0x1e0: {  	p6 =	slt.s32 @!p4 s10, $0x61A;
	[sflag:s8] =	ssyncadd.s32 @!p4 $0xFFFFE000  }
0x1e1: {  	p3 =	por !p6, p4;
	_ =	swait.ge @!p4 [sflag:s8], $0x2000  }
0x1e2: {  	s10 =	sadd.s32 @!p3 $0x800, s15;
	[sflag:s8] =	ssyncset.done @!p4 $0x0  }
0x1e3: {  	[sflag:s8] =	ssyncadd.s32 @!p4 $0xFFFFE000;
	s8 =	sand.u32 @!p3 $0x1FFFF800, s10  }
0x1e4: {  	s13 =	simm.s32 @!p3 $0x0;
	s14 =	simm.s32 @!p3 $0x7200;
	s10 =	sadd.s32 @!p3 s2, s8  }
0x1e5: {  	[hbm4b:s10+s13] =	stream.linear.scatter @!p3 [tilespmem:s14], [sflag:$0x8], $0x4000, $0x38;
	[tilespmem:$0x1B200] =	vst v63  }
0x1e6: {  	s8 =	sadd.s32 @!p3 s3, s8;
	s10 =	simm.s32 @!p3 $0x13200  }
0x1e7: {  	[hbm4b:s8+s13] =	stream.linear.scatter @!p3 [tilespmem:s10], [sflag:$0xB], $0x4000, $0x38;
	[tilespmem:$0x1B200] =	vst v63  }
0x1e8: {  	s8 =	sadd.s32 @!p4 $0xFFFFF9E4, s9;
	p3 =	por p6, p4  }
0x1e9: {  	p3 =	seq.s32 @!p3 s8, $0x0  }
0x1ea: {  	p3 =	por @!p4 !p3, p6  }
0x1eb: {  	p3 =	por p3, p4;
	p4 =	sgt.u32 s17, $0xF  }
.Ltmp8:
0x1ec: {  	s8 =	simm.s32 @!p3 $0x0;
	s9 =	simm.s32 @!p3 $0x7200;
	(pc) =	sbr.rel @p4 .LBB2_10-.Ltmp8, $4  }
0x1ed: {  	[hbm4b:s11+s8] =	stream.linear.scatter @!p3 [tilespmem:s9], [sflag:$0x8], $0x2000, $0x38;
	[tilespmem:$0x1B200] =	vst v63  }
0x1ee: {  	p6 =	seq.s32 s16, $0x0;
	s9 =	simm.s32 @!p3 $0x13200  }
0x1ef: {  	[hbm4b:s12+s8] =	stream.linear.scatter @!p3 [tilespmem:s9], [sflag:$0xB], $0x2000, $0x38;
	[tilespmem:$0x1B200] =	vst v63  }
0x1f0: {  	s8 =	sadd.s32 @!p6 s16, s6  }
0x1f1: {  	s9 =	sadd.s32 @!p6 $0xFFFFFFFE, s8  }
0x1f2: {  	p3 =	slt.s32 @!p6 s9, $0x61A  }
0x1f3: {  	p0 =	por !p3, p6  }
0x1f4: {  	s9 =	simm.s32 @!p0 $0x8  }
0x1f5: {  	_ =	swait.ge @!p0 [sflag:s9], $0x4000  }
0x1f6: {  	s10 =	sadd.s32 @!p6 $0xFFFFF9E4, s8;
	p1 =	por p3, p6;
	[sflag:s9] =	ssyncset.done @!p0 $0x0  }
0x1f7: {  	p1 =	seq.s32 @!p1 s10, $0x0;
	[sflag:s9] =	ssyncadd.s32 @!p0 $0xFFFFC000;
	s9 =	simm.s32 @!p0 $0xB  }
0x1f8: {  	p1 =	por @!p6 !p1, p3;
	_ =	swait.ge @!p0 [sflag:s9], $0x4000  }
0x1f9: {  	p1 =	por p1, p6;
	[sflag:s9] =	ssyncset.done @!p0 $0x0  }
0x1fa: {  	[sflag:s9] =	ssyncadd.s32 @!p0 $0xFFFFC000;
	s9 =	simm.s32 @!p1 $0x8  }
0x1fb: {  	_ =	swait.ge @!p1 [sflag:s9], $0x2000  }
0x1fc: {  	[sflag:s9] =	ssyncset.done @!p1 $0x0  }
0x1fd: {  	[sflag:s9] =	ssyncadd.s32 @!p1 $0xFFFFE000;
	s9 =	simm.s32 @!p1 $0xB  }
0x1fe: {  	_ =	swait.ge @!p1 [sflag:s9], $0x2000  }
0x1ff: {  	[sflag:s9] =	ssyncset.done @!p1 $0x0  }
0x200: {  	[sflag:s9] =	ssyncadd.s32 @!p1 $0xFFFFE000  }
0x201: {  	v4 =	vld [tilespmem:s7+$0x40];
	_ =	sdelay $0x4  }
0x202: {  	v5 =	vperm.xlane v4, v1;
	_ =	sdelay $0x1  }
0x203: {  	v4 =	vperm.xlane v4, v3;
	v5 =	vadd.s32 v2, v5;
	_ =	sdelay $0x1  }
0x204: {  	v4 =	vadd.s32 v2, v4;
	_ =	sdelay $0x1  }
0x205: {  	s13 =	simm.s32 $0x7200  }
0x206: {  	[tilespmem:s13], [sflag:$0x2] =	stream.indirect_vreg.gather [hbm4b:s1+s5], $0x80, v5, vm0, $0xb8;
	[tilespmem:$0x1B200] =	vst v63  }
0x207: {  	s14 =	simm.s32 $0x7A00  }
0x208: {  	[tilespmem:s14], [sflag:$0x2] =	stream.indirect_vreg.gather [hbm4b:s1+s5], $0x80, v4, vm0, $0xb8;
	[tilespmem:$0x1B200] =	vst v63  }
0x209: {  	v4 =	vld [tilespmem:s7+$0x50];
	_ =	sdelay $0x4  }
0x20a: {  	v5 =	vperm.xlane v4, v1;
	_ =	sdelay $0x1  }
0x20b: {  	v4 =	vperm.xlane v4, v3;
	v5 =	vadd.s32 v2, v5;
	_ =	sdelay $0x1  }
0x20c: {  	v4 =	vadd.s32 v2, v4;
	_ =	sdelay $0x1  }
0x20d: {  	s10 =	simm.s32 $0x8200  }
0x20e: {  	[tilespmem:s10], [sflag:$0x2] =	stream.indirect_vreg.gather [hbm4b:s1+s5], $0x80, v5, vm0, $0xb8;
	[tilespmem:$0x1B200] =	vst v63  }
0x20f: {  	s13 =	simm.s32 $0x8A00  }
0x210: {  	[tilespmem:s13], [sflag:$0x2] =	stream.indirect_vreg.gather [hbm4b:s1+s5], $0x80, v4, vm0, $0xb8;
	[tilespmem:$0x1B200] =	vst v63  }
0x211: {  	v4 =	vld [tilespmem:s7+$0x60];
	_ =	sdelay $0x4  }
0x212: {  	v5 =	vperm.xlane v4, v1;
	_ =	sdelay $0x1  }
0x213: {  	v4 =	vperm.xlane v4, v3;
	v5 =	vadd.s32 v2, v5;
	_ =	sdelay $0x1  }
0x214: {  	v4 =	vadd.s32 v2, v4;
	_ =	sdelay $0x1  }
0x215: {  	s14 =	simm.s32 $0x9200  }
0x216: {  	[tilespmem:s14], [sflag:$0x2] =	stream.indirect_vreg.gather [hbm4b:s1+s5], $0x80, v5, vm0, $0xb8;
	[tilespmem:$0x1B200] =	vst v63  }
0x217: {  	s10 =	simm.s32 $0x9A00  }
0x218: {  	[tilespmem:s10], [sflag:$0x2] =	stream.indirect_vreg.gather [hbm4b:s1+s5], $0x80, v4, vm0, $0xb8;
	[tilespmem:$0x1B200] =	vst v63  }
0x219: {  	v4 =	vld [tilespmem:s7+$0x70];
	_ =	sdelay $0x4  }
0x21a: {  	v5 =	vperm.xlane v4, v1;
	_ =	sdelay $0x1  }
0x21b: {  	v4 =	vperm.xlane v4, v3;
	v5 =	vadd.s32 v2, v5;
	_ =	sdelay $0x1  }
0x21c: {  	v4 =	vadd.s32 v2, v4;
	_ =	sdelay $0x1  }
0x21d: {  	s13 =	simm.s32 $0xA200  }
0x21e: {  	[tilespmem:s13], [sflag:$0x2] =	stream.indirect_vreg.gather [hbm4b:s1+s5], $0x80, v5, vm0, $0xb8;
	[tilespmem:$0x1B200] =	vst v63  }
0x21f: {  	s14 =	simm.s32 $0xAA00  }
0x220: {  	[tilespmem:s14], [sflag:$0x2] =	stream.indirect_vreg.gather [hbm4b:s1+s5], $0x80, v4, vm0, $0xb8;
	[tilespmem:$0x1B200] =	vst v63  }
0x221: {  	v4 =	vld [tilespmem:s7+$0xCC0];
	_ =	sdelay $0x4  }
0x222: {  	v5 =	vperm.xlane v4, v1;
	_ =	sdelay $0x1  }
0x223: {  	v4 =	vperm.xlane v4, v3;
	v5 =	vadd.s32 v2, v5;
	_ =	sdelay $0x1  }
0x224: {  	v4 =	vadd.s32 v2, v4;
	_ =	sdelay $0x1  }
0x225: {  	s10 =	simm.s32 $0x7600  }
0x226: {  	[tilespmem:s10], [sflag:$0x2] =	stream.indirect_vreg.gather [hbm4b:s1+s5], $0x80, v5, vm0, $0xb8;
	[tilespmem:$0x1B200] =	vst v63  }
0x227: {  	s13 =	simm.s32 $0x7E00  }
0x228: {  	[tilespmem:s13], [sflag:$0x2] =	stream.indirect_vreg.gather [hbm4b:s1+s5], $0x80, v4, vm0, $0xb8;
	[tilespmem:$0x1B200] =	vst v63  }
0x229: {  	v4 =	vld [tilespmem:s7+$0xCD0];
	_ =	sdelay $0x4  }
0x22a: {  	v5 =	vperm.xlane v4, v1;
	_ =	sdelay $0x1  }
0x22b: {  	v4 =	vperm.xlane v4, v3;
	v5 =	vadd.s32 v2, v5;
	_ =	sdelay $0x1  }
0x22c: {  	v4 =	vadd.s32 v2, v4;
	_ =	sdelay $0x1  }
0x22d: {  	s14 =	simm.s32 $0x8600  }
0x22e: {  	[tilespmem:s14], [sflag:$0x2] =	stream.indirect_vreg.gather [hbm4b:s1+s5], $0x80, v5, vm0, $0xb8;
	[tilespmem:$0x1B200] =	vst v63  }
0x22f: {  	s10 =	simm.s32 $0x8E00  }
0x230: {  	[tilespmem:s10], [sflag:$0x2] =	stream.indirect_vreg.gather [hbm4b:s1+s5], $0x80, v4, vm0, $0xb8;
	[tilespmem:$0x1B200] =	vst v63  }
0x231: {  	v4 =	vld [tilespmem:s7+$0xCE0];
	_ =	sdelay $0x4  }
0x232: {  	v5 =	vperm.xlane v4, v1;
	_ =	sdelay $0x1  }
0x233: {  	v4 =	vperm.xlane v4, v3;
	v5 =	vadd.s32 v2, v5;
	_ =	sdelay $0x1  }
0x234: {  	v4 =	vadd.s32 v2, v4;
	_ =	sdelay $0x1  }
0x235: {  	s13 =	simm.s32 $0x9600  }
0x236: {  	[tilespmem:s13], [sflag:$0x2] =	stream.indirect_vreg.gather [hbm4b:s1+s5], $0x80, v5, vm0, $0xb8;
	[tilespmem:$0x1B200] =	vst v63  }
0x237: {  	s14 =	simm.s32 $0x9E00  }
0x238: {  	[tilespmem:s14], [sflag:$0x2] =	stream.indirect_vreg.gather [hbm4b:s1+s5], $0x80, v4, vm0, $0xb8;
	[tilespmem:$0x1B200] =	vst v63  }
0x239: {  	v4 =	vld [tilespmem:s7+$0xCF0];
	_ =	sdelay $0x4  }
0x23a: {  	v5 =	vperm.xlane v4, v1;
	_ =	sdelay $0x1  }
0x23b: {  	v4 =	vperm.xlane v4, v3;
	v5 =	vadd.s32 v2, v5;
	_ =	sdelay $0x1  }
0x23c: {  	v4 =	vadd.s32 v2, v4;
	_ =	sdelay $0x1  }
0x23d: {  	s10 =	simm.s32 $0xA600  }
0x23e: {  	[tilespmem:s10], [sflag:$0x2] =	stream.indirect_vreg.gather [hbm4b:s1+s5], $0x80, v5, vm0, $0xb8;
	[tilespmem:$0x1B200] =	vst v63  }
0x23f: {  	s13 =	simm.s32 $0xAE00  }
0x240: {  	[tilespmem:s13], [sflag:$0x2] =	stream.indirect_vreg.gather [hbm4b:s1+s5], $0x80, v4, vm0, $0xb8;
	[tilespmem:$0x1B200] =	vst v63  }
0x241: {  	v4 =	vld [tilespmem:s7+$0x1940];
	_ =	sdelay $0x4  }
0x242: {  	v5 =	vperm.xlane v4, v1;
	_ =	sdelay $0x1  }
0x243: {  	v4 =	vperm.xlane v4, v3;
	v5 =	vadd.s32 v2, v5;
	_ =	sdelay $0x1  }
0x244: {  	v4 =	vadd.s32 v2, v4;
	_ =	sdelay $0x1  }
0x245: {  	s14 =	simm.s32 $0x13200  }
0x246: {  	[tilespmem:s14], [sflag:$0x5] =	stream.indirect_vreg.gather [hbm4b:s1+s5], $0x80, v5, vm0, $0xb8;
	[tilespmem:$0x1B200] =	vst v63  }
0x247: {  	s10 =	simm.s32 $0x13A00  }
0x248: {  	[tilespmem:s10], [sflag:$0x5] =	stream.indirect_vreg.gather [hbm4b:s1+s5], $0x80, v4, vm0, $0xb8;
	[tilespmem:$0x1B200] =	vst v63  }
0x249: {  	v4 =	vld [tilespmem:s7+$0x1950];
	_ =	sdelay $0x4  }
0x24a: {  	v5 =	vperm.xlane v4, v1;
	_ =	sdelay $0x1  }
0x24b: {  	v4 =	vperm.xlane v4, v3;
	v5 =	vadd.s32 v2, v5;
	_ =	sdelay $0x1  }
0x24c: {  	v4 =	vadd.s32 v2, v4;
	_ =	sdelay $0x1  }
0x24d: {  	s13 =	simm.s32 $0x14200  }
0x24e: {  	[tilespmem:s13], [sflag:$0x5] =	stream.indirect_vreg.gather [hbm4b:s1+s5], $0x80, v5, vm0, $0xb8;
	[tilespmem:$0x1B200] =	vst v63  }
0x24f: {  	s14 =	simm.s32 $0x14A00  }
0x250: {  	[tilespmem:s14], [sflag:$0x5] =	stream.indirect_vreg.gather [hbm4b:s1+s5], $0x80, v4, vm0, $0xb8;
	[tilespmem:$0x1B200] =	vst v63  }
0x251: {  	v4 =	vld [tilespmem:s7+$0x1960];
	_ =	sdelay $0x4  }
0x252: {  	v5 =	vperm.xlane v4, v1;
	_ =	sdelay $0x1  }
0x253: {  	v4 =	vperm.xlane v4, v3;
	v5 =	vadd.s32 v2, v5;
	_ =	sdelay $0x1  }
0x254: {  	v4 =	vadd.s32 v2, v4;
	_ =	sdelay $0x1  }
0x255: {  	s10 =	simm.s32 $0x15200  }
0x256: {  	[tilespmem:s10], [sflag:$0x5] =	stream.indirect_vreg.gather [hbm4b:s1+s5], $0x80, v5, vm0, $0xb8;
	[tilespmem:$0x1B200] =	vst v63  }
0x257: {  	s13 =	simm.s32 $0x15A00  }
0x258: {  	[tilespmem:s13], [sflag:$0x5] =	stream.indirect_vreg.gather [hbm4b:s1+s5], $0x80, v4, vm0, $0xb8;
	[tilespmem:$0x1B200] =	vst v63  }
0x259: {  	v4 =	vld [tilespmem:s7+$0x1970];
	_ =	sdelay $0x4  }
0x25a: {  	v5 =	vperm.xlane v4, v1;
	_ =	sdelay $0x1  }
0x25b: {  	v4 =	vperm.xlane v4, v3;
	v5 =	vadd.s32 v2, v5;
	_ =	sdelay $0x1  }
0x25c: {  	v4 =	vadd.s32 v2, v4;
	_ =	sdelay $0x1  }
0x25d: {  	s14 =	simm.s32 $0x16200  }
0x25e: {  	[tilespmem:s14], [sflag:$0x5] =	stream.indirect_vreg.gather [hbm4b:s1+s5], $0x80, v5, vm0, $0xb8;
	[tilespmem:$0x1B200] =	vst v63  }
0x25f: {  	s10 =	simm.s32 $0x16A00  }
0x260: {  	[tilespmem:s10], [sflag:$0x5] =	stream.indirect_vreg.gather [hbm4b:s1+s5], $0x80, v4, vm0, $0xb8;
	[tilespmem:$0x1B200] =	vst v63  }
0x261: {  	v4 =	vld [tilespmem:s7+$0x25C0];
	_ =	sdelay $0x4  }
0x262: {  	v5 =	vperm.xlane v4, v1;
	_ =	sdelay $0x1  }
0x263: {  	v4 =	vperm.xlane v4, v3;
	v5 =	vadd.s32 v2, v5;
	_ =	sdelay $0x1  }
0x264: {  	v4 =	vadd.s32 v2, v4;
	_ =	sdelay $0x1  }
0x265: {  	s13 =	simm.s32 $0x13600  }
0x266: {  	[tilespmem:s13], [sflag:$0x5] =	stream.indirect_vreg.gather [hbm4b:s1+s5], $0x80, v5, vm0, $0xb8;
	[tilespmem:$0x1B200] =	vst v63  }
0x267: {  	s14 =	simm.s32 $0x13E00  }
0x268: {  	[tilespmem:s14], [sflag:$0x5] =	stream.indirect_vreg.gather [hbm4b:s1+s5], $0x80, v4, vm0, $0xb8;
	[tilespmem:$0x1B200] =	vst v63  }
0x269: {  	v4 =	vld [tilespmem:s7+$0x25D0];
	_ =	sdelay $0x4  }
0x26a: {  	v5 =	vperm.xlane v4, v1;
	_ =	sdelay $0x1  }
0x26b: {  	v4 =	vperm.xlane v4, v3;
	v5 =	vadd.s32 v2, v5;
	_ =	sdelay $0x1  }
0x26c: {  	v4 =	vadd.s32 v2, v4;
	_ =	sdelay $0x1  }
0x26d: {  	s10 =	simm.s32 $0x14600  }
0x26e: {  	[tilespmem:s10], [sflag:$0x5] =	stream.indirect_vreg.gather [hbm4b:s1+s5], $0x80, v5, vm0, $0xb8;
	[tilespmem:$0x1B200] =	vst v63  }
0x26f: {  	s13 =	simm.s32 $0x14E00  }
0x270: {  	[tilespmem:s13], [sflag:$0x5] =	stream.indirect_vreg.gather [hbm4b:s1+s5], $0x80, v4, vm0, $0xb8;
	[tilespmem:$0x1B200] =	vst v63  }
0x271: {  	v4 =	vld [tilespmem:s7+$0x25E0];
	_ =	sdelay $0x4  }
0x272: {  	v5 =	vperm.xlane v4, v1;
	_ =	sdelay $0x1  }
0x273: {  	v4 =	vperm.xlane v4, v3;
	v5 =	vadd.s32 v2, v5;
	_ =	sdelay $0x1  }
0x274: {  	v4 =	vadd.s32 v2, v4;
	_ =	sdelay $0x1  }
0x275: {  	s14 =	simm.s32 $0x15600  }
0x276: {  	[tilespmem:s14], [sflag:$0x5] =	stream.indirect_vreg.gather [hbm4b:s1+s5], $0x80, v5, vm0, $0xb8;
	[tilespmem:$0x1B200] =	vst v63  }
0x277: {  	s10 =	simm.s32 $0x15E00  }
0x278: {  	[tilespmem:s10], [sflag:$0x5] =	stream.indirect_vreg.gather [hbm4b:s1+s5], $0x80, v4, vm0, $0xb8;
	[tilespmem:$0x1B200] =	vst v63  }
0x279: {  	v4 =	vld [tilespmem:s7+$0x25F0];
	_ =	sdelay $0x4  }
0x27a: {  	v5 =	vperm.xlane v4, v1;
	_ =	sdelay $0x1  }
0x27b: {  	v4 =	vperm.xlane v4, v3;
	v5 =	vadd.s32 v2, v5;
	_ =	sdelay $0x1  }
0x27c: {  	v4 =	vadd.s32 v2, v4;
	_ =	sdelay $0x1  }
0x27d: {  	s13 =	simm.s32 $0x16600  }
0x27e: {  	[tilespmem:s13], [sflag:$0x5] =	stream.indirect_vreg.gather [hbm4b:s1+s5], $0x80, v5, vm0, $0xb8;
	[tilespmem:$0x1B200] =	vst v63  }
0x27f: {  	s14 =	simm.s32 $0x16E00  }
0x280: {  	[tilespmem:s14], [sflag:$0x5] =	stream.indirect_vreg.gather [hbm4b:s1+s5], $0x80, v4, vm0, $0xb8;
	[tilespmem:$0x1B200] =	vst v63  }
.LBB2_10:
0x281: {  	s9 =	sadd.s32 $0xFFFFFFFF, s16  }
0x282: {  	p0 =	sgt.u32 s9, $0x30  }
.Ltmp9:
0x283: {  	_ = 	snop;
	(pc) =	sbr.rel @p0 .LBB2_14-.Ltmp9, $1  }
0x284: {  	_ =	sdelay $0x3  }
0x285: {  	_ =	swait.ge [sflag:s31], $0x2000  }
0x286: {  	[sflag:s31] =	ssyncset.done $0x0  }
0x287: {  	[sflag:s31] =	ssyncadd.s32 $0xFFFFE000  }
0x288: {  	_ =	swait.ge [sflag:s31], $0x2000  }
0x289: {  	s9 =	sadd.s32 s16, s6;
	[sflag:s31] =	ssyncset.done $0x0  }
0x28a: {  	s10 =	sadd.s32 $0xFFFFFFFF, s9;
	[sflag:s31] =	ssyncadd.s32 $0xFFFFE000  }
0x28b: {  	p0 =	slt.s32 s10, $0x61A;
	_ =	swait.ge [sflag:s0], $0x2000  }
.Ltmp10:
0x28c: {  	[sflag:s0] =	ssyncset.done $0x0;
	(pc) =	sbr.rel @!p0 .LBB2_12-.Ltmp10, $4  }
0x28d: {  	[sflag:s0] =	ssyncadd.s32 $0xFFFFE000  }
0x28e: {  	_ =	swait.ge [sflag:s0], $0x2000  }
0x28f: {  	[sflag:s0] =	ssyncset.done $0x0  }
0x290: {  	[sflag:s0] =	ssyncadd.s32 $0xFFFFE000  }
0x291: {  	s9 =	sadd.s32 $0x1000, s15;
	p0 =	slt.u32 s17, $0x10  }
.Ltmp11:
0x292: {  	s9 =	sand.u32 $0x1FFFF800, s9;
	(pc) =	sbr.rel @p0 .LBB2_15-.Ltmp11, $4  }
.Ltmp12:
0x293: {  	s13 =	simm.s32 $0xB200;
	s10 =	sadd.s32 s2, s9;
	(pc) =	sbr.rel @!p0 .LBB2_16-.Ltmp12, $4  }
0x294: {  	[hbm4b:s10+s5] =	stream.linear.scatter [tilespmem:s13], [sflag:$0x9], $0x4000, $0x38;
	[tilespmem:$0x1B200] =	vst v63  }
0x295: {  	s14 =	simm.s32 $0x17200;
	s9 =	sadd.s32 s3, s9  }
0x296: {  	[hbm4b:s9+s5] =	stream.linear.scatter [tilespmem:s14], [sflag:$0xC], $0x4000, $0x38;
	[tilespmem:$0x1B200] =	vst v63  }
0x297: {  	_ = 	snop  }
.LBB2_12:
0x298: {  	s9 =	sadd.s32 $0xFFFFF9E5, s9  }
0x299: {  	p0 =	seq.s32 s9, $0x0  }
.Ltmp13:
0x29a: {  	_ = 	snop;
	(pc) =	sbr.rel @p0 .LBB2_13-.Ltmp13, $1  }
0x29b: {  	_ =	sdelay $0x3  }
.LBB2_14:
.Ltmp14:
0x29c: {  	(pc) =	sbr.rel @p4 .LBB2_16-.Ltmp14, $4  }
.Ltmp15:
0x29d: {  	(pc) =	sbr.rel @!p4 .LBB2_15-.Ltmp15, $4  }
0x29e: {  	_ = 	snop  }
0x29f: {  	_ = 	snop  }
0x2a0: {  	_ = 	snop  }
0x2a1: {  	_ = 	snop  }
.LBB2_13:
0x2a2: {  	p0 =	slt.u32 s17, $0x10  }
.Ltmp16:
0x2a3: {  	_ = 	snop;
	(pc) =	sbr.rel @p0 .LBB2_15-.Ltmp16, $4  }
.Ltmp17:
0x2a4: {  	s9 =	simm.s32 $0xB200;
	(pc) =	sbr.rel @!p0 .LBB2_16-.Ltmp17, $4  }
0x2a5: {  	[hbm4b:s11+s5] =	stream.linear.scatter [tilespmem:s9], [sflag:$0x9], $0x2000, $0x38;
	[tilespmem:$0x1B200] =	vst v63  }
0x2a6: {  	s14 =	simm.s32 $0x17200  }
0x2a7: {  	[hbm4b:s12+s5] =	stream.linear.scatter [tilespmem:s14], [sflag:$0xC], $0x2000, $0x38;
	[tilespmem:$0x1B200] =	vst v63  }
0x2a8: {  	_ = 	snop  }
.LBB2_17:
0x2a9: {  	s4 =	sld [smem:$0x7FB];
	_ =	sdelay $0x2  }
0x2aa: {  	p0 =	seq.s32 s4, $0x1  }
.Ltmp18:
0x2ab: {  	_ = 	snop;
	(pc) =	sbr.rel @p0 .LBB2_22-.Ltmp18, $1  }
0x2ac: {  	_ =	sdelay $0x3  }
0x2ad: {  	s4 =	sld [smem:$0x7FC];
	_ =	sdelay $0x2  }
0x2ae: {  	p0 =	seq.s32 s4, $0x1  }
.Ltmp19:
0x2af: {  	_ = 	snop;
	(pc) =	sbr.rel @!p0 .LBB2_20-.Ltmp19, $2  }
0x2b0: {  	_ =	sdelay $0x2  }
0x2b1: {  	s7 =	rddreg [dreg:$0xb]  }
0x2b2: {  	s4 =	simm.s32 $0x7  }
0x2b3: {  	_ =	swait.ge [sflag:s4], $0x2000  }
.Ltmp20:
0x2b4: {  	[sflag:s4] =	ssyncset.done $0x0;
	(pc) =	sbr.rel .LBB2_23-.Ltmp20, $4  }
0x2b5: {  	s17 =	simm.s32 $0xA;
	[sflag:s4] =	ssyncadd.s32 $0xFFFFE000  }
0x2b6: {  	_ =	swait.ge [sflag:s17], $0x2000  }
0x2b7: {  	[sflag:s17] =	ssyncset.done $0x0  }
0x2b8: {  	[sflag:s17] =	ssyncadd.s32 $0xFFFFE000  }
.LBB2_20:
0x2b9: {  	s4 =	sld [smem:$0x7FD];
	_ =	sdelay $0x2  }
0x2ba: {  	p0 =	seq.s32 s4, $0x1  }
.Ltmp21:
0x2bb: {  	_ = 	snop;
	(pc) =	sbr.rel @p0 .LBB2_23-.Ltmp21, $1  }
0x2bc: {  	_ =	sdelay $0x3  }
0x2bd: {  	s4 =	simm.s32 @p5 $0x8  }
0x2be: {  	_ =	swait.ge @p5 [sflag:s4], $0x2000  }
.Ltmp22:
0x2bf: {  	[sflag:s4] =	ssyncset.done @p5 $0x0;
	(pc) =	sbr.rel .LBB2_24-.Ltmp22, $4  }
0x2c0: {  	[sflag:s4] =	ssyncadd.s32 @p5 $0xFFFFE000;
	s4 =	simm.s32 @p5 $0xB  }
0x2c1: {  	_ =	swait.ge @p5 [sflag:s4], $0x2000  }
0x2c2: {  	[sflag:s4] =	ssyncset.done @p5 $0x0  }
0x2c3: {  	[sflag:s4] =	ssyncadd.s32 @p5 $0xFFFFE000  }
.LBB2_25:
0x2c4: {  	_ =	sfence.sel $0x180000  }
0x2c5: {  	[bflag:$0x0] =	sbarrier.arrive $0xFFFF  }
0x2c6: {  	_ =	strace $0x90000047  }
0x2c7: {  	s0 =	stileid.u32;
	[bflag:$0x2] =	sbarrier.arrive $0xFFFF  }
0x2c8: {  	p0 =	sne.s32 s0, $0x0;
	s0 =	rddreg [dreg:$0x4]  }
0x2c9: {  	s0 =	sadd.s32 @!p0 $0x100000, s0  }
0x2ca: {  	[sflag:s0] =	ssyncadd.tile.s32 @!p0 $0x1;
	_ =	shalt  }
.Lfunc_end2:
_tile_overlayer_lowered:
.L_overlay_start_2:
0x2cb: {  	(tag) =	ssettag $0x2  }
0x2cc: {  	s0 =	rddreg [dreg:$0x0];
	s2 =	stileid.u32  }
0x2cd: {  	s1 =	rddreg [dreg:$0x1];
	p0 =	sne.s32 s2, $0x0  }
0x2ce: {  	s3 =	rddreg [dreg:$0x2];
	[bflag:$0x3] =	sbarrier.arrive $0xFFFF;
	s2 =	simm.s32 @!p0 $0x1C0D  }
0x2cf: {  	[timem:s3], [sflag:s2] =	dma.local @!p0 [hbm:s0], s1  }
0x2d0: {  	s0 =	simm.s32 @!p0 $0xD  }
0x2d1: {  	_ =	swait.ge @!p0 [sflag:s0], s1  }
0x2d2: {  	s1 =	ssub.s32 @!p0 $0x0, s1;
	[sflag:s0] =	ssyncset.done @!p0 $0x0  }
0x2d3: {  	[sflag:s0] =	ssyncadd.s32 @!p0 s1  }
0x2d4: {  	[bflag:$0x3] =	sbarrier.arrive $0xFFFF  }
0x2d5: {  	_ =	shalt  }

</sc_bundles>
